<compile_context>
chip_gen: v7x
topology: tpu7x:2x2x1
jax: 0.10.2.dev20260603
libtpu: 0.0.44.dev20260713+nightly
codegen_flags: <defaults>
</compile_context>

<pallas_src>
import functools
import jax
import jax.numpy as jnp
from jax import lax
from jax.experimental import pallas as pl
from jax.experimental.pallas import tpu as pltpu
from jax.experimental.pallas import tpu_sc as plsc

_ORDER = tuple(range(17))

_B, _N, _J, _D = 32, 243, 17, 256
_TOTAL = _B * _N * _J * _D
_NC, _NS = 2, 16
_NW = _NC * _NS
_PER_W = _TOTAL // _NW
_NCHUNK = 32
_CHUNK = _PER_W // _NCHUNK
_NBUF = 3
_LOOK = 2


def _make_sc_copy():
    mesh = plsc.VectorSubcoreMesh(
        core_axis_name="c", subcore_axis_name="s",
        num_cores=_NC, num_subcores=_NS)

    @functools.partial(
        pl.kernel,
        mesh=mesh,
        out_type=jax.ShapeDtypeStruct((_TOTAL,), jnp.float32),
        scratch_types=[
            pltpu.VMEM((_CHUNK,), jnp.float32),
            pltpu.VMEM((_CHUNK,), jnp.float32),
            pltpu.VMEM((_CHUNK,), jnp.float32),
            pltpu.SemaphoreType.DMA,
            pltpu.SemaphoreType.DMA,
            pltpu.SemaphoreType.DMA,
            pltpu.SemaphoreType.DMA,
            pltpu.SemaphoreType.DMA,
            pltpu.SemaphoreType.DMA,
        ],
    )
    def sc_copy(x_hbm, o_hbm, b0, b1, b2, is0, is1, is2, os0, os1, os2):
        wid = lax.axis_index("s") * _NC + lax.axis_index("c")
        base = wid * _PER_W
        bufs = (b0, b1, b2)
        isems = (is0, is1, is2)
        osems = (os0, os1, os2)

        def in_cp(g):
            k = g % _NBUF
            return pltpu.make_async_copy(
                x_hbm.at[pl.ds(base + g * _CHUNK, _CHUNK)],
                bufs[k], isems[k])

        def out_cp(g):
            k = g % _NBUF
            return pltpu.make_async_copy(
                bufs[k],
                o_hbm.at[pl.ds(base + g * _CHUNK, _CHUNK)], osems[k])

        for j in range(_LOOK):
            in_cp(j).start()
        for g in range(_NCHUNK):
            a = g + _LOOK
            if a < _NCHUNK:
                if a >= _NBUF:
                    out_cp(a - _NBUF).wait()
                in_cp(a).start()
            in_cp(g).wait()
            out_cp(g).start()
        for g in range(_NCHUNK - _NBUF, _NCHUNK):
            out_cp(g).wait()

    return sc_copy


_SC_COPY_CACHE = []


def kernel(x):
    if not _SC_COPY_CACHE:
        _SC_COPY_CACHE.append(_make_sc_copy())
    xt = jax.lax.transpose(x, (1, 2, 0, 3))
    flat = xt.reshape(_TOTAL)
    out = _SC_COPY_CACHE[0](flat)
    out_t = out.reshape(_N, _J, _B, _D)
    return jax.lax.transpose(out_t, (2, 0, 1, 3))

# --- scband reference (transcript-rebuilt; emitter-appended) ---
"""Pipeline reference for scband-geometric-reorder-33122787787296 (READ-ONLY COPY).

The authoritative reference and input builder live on the scoring server;
editing this copy changes nothing except your own understanding.
"""

import jax, jax.numpy as jnp
import numpy as np

GEOMETRIC_ORDER = jnp.array([0, 1, 2, 3, 4, 5, 6, 7, 8, 9, 10, 11, 12, 13, 14, 15, 16], dtype=jnp.int32)

def setup_inputs(seed: int = 0) -> dict:
    key = jax.random.key(seed)
    x = jax.random.normal(key, (32, 243, 17, 256), dtype=jnp.float32)
    return {"x": x}

def reference(x):
    # faithful translation of GeometricReorder.forward: gather along joint axis
    reorder_idx = GEOMETRIC_ORDER
    return jnp.take(x, reorder_idx, axis=2)

if __name__ == "__main__":
    import jax
    _d = setup_inputs()
    print(jax.jit(kernel)(*tuple(_d.values())))

</pallas_src>

<mosaic_0001>
#map = affine_map<(d0, d1) -> (0)>
module attributes {stable_mosaic.version = 14 : i64} {
  func.func @sc_copy(%arg0: i32, %arg1: i32, %arg2: memref<33841152xf32, #tpu.memory_space<hbm>>, %arg3: memref<33841152xf32, #tpu.memory_space<hbm>>, %arg4: memref<33048xf32, #tpu.memory_space<vmem>>, %arg5: memref<33048xf32, #tpu.memory_space<vmem>>, %arg6: memref<33048xf32, #tpu.memory_space<vmem>>, %arg7: memref<!tpu.dma_semaphore, #tpu.memory_space<semaphore_mem>>, %arg8: memref<!tpu.dma_semaphore, #tpu.memory_space<semaphore_mem>>, %arg9: memref<!tpu.dma_semaphore, #tpu.memory_space<semaphore_mem>>, %arg10: memref<!tpu.dma_semaphore, #tpu.memory_space<semaphore_mem>>, %arg11: memref<!tpu.dma_semaphore, #tpu.memory_space<semaphore_mem>>, %arg12: memref<!tpu.dma_semaphore, #tpu.memory_space<semaphore_mem>>) attributes {dimension_semantics = [#tpu.dimension_semantics<core_parallel>, #tpu.dimension_semantics<subcore_parallel>], iteration_bounds = array<i64: 2, 16>, scalar_prefetch = 0 : i64, scratch_operands = 9 : i64, tpu.core_type = #tpu.core_type<sc_vector_subcore>, window_params = [{transform_indices = #map}, {transform_indices = #map}]} {
    %mul3A = arith.constant 2 : i32
    %mul3A_0 = arith.muli %arg1, %mul3A : i32
    %add3A = arith.addi %mul3A_0, %arg0 : i32
    %mul3A_1 = arith.constant 1057536 : i32
    %mul3A_2 = arith.muli %add3A, %mul3A_1 : i32
    %add3A_3 = arith.constant 0 : i32
    %add3A_4 = arith.addi %mul3A_2, %add3A_3 : i32
    %dma_start3A = tpu.memref_slice %arg2[%add3A_4] : memref<33841152xf32, #tpu.memory_space<hbm>> -> memref<33048xf32, #tpu.memory_space<hbm>>
    %dma_start3A_5 = tpu.memref_slice %arg2[%add3A_4] : memref<33841152xf32, #tpu.memory_space<hbm>> -> memref<33048xf32, #tpu.memory_space<hbm>>
    tpu.enqueue_dma source(%dma_start3A_5 : memref<33048xf32, #tpu.memory_space<hbm>>) target(%arg4 : memref<33048xf32, #tpu.memory_space<vmem>>) target_semaphore(%arg7 : memref<!tpu.dma_semaphore, #tpu.memory_space<semaphore_mem>>)
    %add3A_6 = arith.constant 33048 : i32
    %add3A_7 = arith.addi %mul3A_2, %add3A_6 : i32
    %dma_start3A_8 = tpu.memref_slice %arg2[%add3A_7] : memref<33841152xf32, #tpu.memory_space<hbm>> -> memref<33048xf32, #tpu.memory_space<hbm>>
    %dma_start3A_9 = tpu.memref_slice %arg2[%add3A_7] : memref<33841152xf32, #tpu.memory_space<hbm>> -> memref<33048xf32, #tpu.memory_space<hbm>>
    tpu.enqueue_dma source(%dma_start3A_9 : memref<33048xf32, #tpu.memory_space<hbm>>) target(%arg5 : memref<33048xf32, #tpu.memory_space<vmem>>) target_semaphore(%arg8 : memref<!tpu.dma_semaphore, #tpu.memory_space<semaphore_mem>>)
    %add3A_10 = arith.constant 66096 : i32
    %add3A_11 = arith.addi %mul3A_2, %add3A_10 : i32
    %dma_start3A_12 = tpu.memref_slice %arg2[%add3A_11] : memref<33841152xf32, #tpu.memory_space<hbm>> -> memref<33048xf32, #tpu.memory_space<hbm>>
    %dma_start3A_13 = tpu.memref_slice %arg2[%add3A_11] : memref<33841152xf32, #tpu.memory_space<hbm>> -> memref<33048xf32, #tpu.memory_space<hbm>>
    tpu.enqueue_dma source(%dma_start3A_13 : memref<33048xf32, #tpu.memory_space<hbm>>) target(%arg6 : memref<33048xf32, #tpu.memory_space<vmem>>) target_semaphore(%arg9 : memref<!tpu.dma_semaphore, #tpu.memory_space<semaphore_mem>>)
    %add3A_14 = arith.constant 0 : i32
    %add3A_15 = arith.addi %mul3A_2, %add3A_14 : i32
    %dma_wait3A = tpu.memref_slice %arg2[%add3A_15] : memref<33841152xf32, #tpu.memory_space<hbm>> -> memref<33048xf32, #tpu.memory_space<hbm>>
    %dma_wait3A_16 = tpu.memref_slice %arg2[%add3A_15] : memref<33841152xf32, #tpu.memory_space<hbm>> -> memref<33048xf32, #tpu.memory_space<hbm>>
    tpu.wait_dma2 semaphore(%arg7 : memref<!tpu.dma_semaphore, #tpu.memory_space<semaphore_mem>>) src(%dma_wait3A_16 : memref<33048xf32, #tpu.memory_space<hbm>>) dst(%arg4 : memref<33048xf32, #tpu.memory_space<vmem>>)
    %add3A_17 = arith.constant 0 : i32
    %add3A_18 = arith.addi %mul3A_2, %add3A_17 : i32
    %dma_start3A_19 = tpu.memref_slice %arg3[%add3A_18] : memref<33841152xf32, #tpu.memory_space<hbm>> -> memref<33048xf32, #tpu.memory_space<hbm>>
    %dma_start3A_20 = tpu.memref_slice %arg3[%add3A_18] : memref<33841152xf32, #tpu.memory_space<hbm>> -> memref<33048xf32, #tpu.memory_space<hbm>>
    tpu.enqueue_dma source(%arg4 : memref<33048xf32, #tpu.memory_space<vmem>>) target(%dma_start3A_20 : memref<33048xf32, #tpu.memory_space<hbm>>) target_semaphore(%arg10 : memref<!tpu.dma_semaphore, #tpu.memory_space<semaphore_mem>>)
    %add3A_21 = arith.constant 0 : i32
    %add3A_22 = arith.addi %mul3A_2, %add3A_21 : i32
    %dma_wait3A_23 = tpu.memref_slice %arg3[%add3A_22] : memref<33841152xf32, #tpu.memory_space<hbm>> -> memref<33048xf32, #tpu.memory_space<hbm>>
    %dma_wait3A_24 = tpu.memref_slice %arg3[%add3A_22] : memref<33841152xf32, #tpu.memory_space<hbm>> -> memref<33048xf32, #tpu.memory_space<hbm>>
    tpu.wait_dma2 semaphore(%arg10 : memref<!tpu.dma_semaphore, #tpu.memory_space<semaphore_mem>>) src(%arg4 : memref<33048xf32, #tpu.memory_space<vmem>>) dst(%dma_wait3A_24 : memref<33048xf32, #tpu.memory_space<hbm>>)
    %add3A_25 = arith.constant 99144 : i32
    %add3A_26 = arith.addi %mul3A_2, %add3A_25 : i32
    %dma_start3A_27 = tpu.memref_slice %arg2[%add3A_26] : memref<33841152xf32, #tpu.memory_space<hbm>> -> memref<33048xf32, #tpu.memory_space<hbm>>
    %dma_start3A_28 = tpu.memref_slice %arg2[%add3A_26] : memref<33841152xf32, #tpu.memory_space<hbm>> -> memref<33048xf32, #tpu.memory_space<hbm>>
    tpu.enqueue_dma source(%dma_start3A_28 : memref<33048xf32, #tpu.memory_space<hbm>>) target(%arg4 : memref<33048xf32, #tpu.memory_space<vmem>>) target_semaphore(%arg7 : memref<!tpu.dma_semaphore, #tpu.memory_space<semaphore_mem>>)
    %add3A_29 = arith.constant 33048 : i32
    %add3A_30 = arith.addi %mul3A_2, %add3A_29 : i32
    %dma_wait3A_31 = tpu.memref_slice %arg2[%add3A_30] : memref<33841152xf32, #tpu.memory_space<hbm>> -> memref<33048xf32, #tpu.memory_space<hbm>>
    %dma_wait3A_32 = tpu.memref_slice %arg2[%add3A_30] : memref<33841152xf32, #tpu.memory_space<hbm>> -> memref<33048xf32, #tpu.memory_space<hbm>>
    tpu.wait_dma2 semaphore(%arg8 : memref<!tpu.dma_semaphore, #tpu.memory_space<semaphore_mem>>) src(%dma_wait3A_32 : memref<33048xf32, #tpu.memory_space<hbm>>) dst(%arg5 : memref<33048xf32, #tpu.memory_space<vmem>>)
    %add3A_33 = arith.constant 33048 : i32
    %add3A_34 = arith.addi %mul3A_2, %add3A_33 : i32
    %dma_start3A_35 = tpu.memref_slice %arg3[%add3A_34] : memref<33841152xf32, #tpu.memory_space<hbm>> -> memref<33048xf32, #tpu.memory_space<hbm>>
    %dma_start3A_36 = tpu.memref_slice %arg3[%add3A_34] : memref<33841152xf32, #tpu.memory_space<hbm>> -> memref<33048xf32, #tpu.memory_space<hbm>>
    tpu.enqueue_dma source(%arg5 : memref<33048xf32, #tpu.memory_space<vmem>>) target(%dma_start3A_36 : memref<33048xf32, #tpu.memory_space<hbm>>) target_semaphore(%arg11 : memref<!tpu.dma_semaphore, #tpu.memory_space<semaphore_mem>>)
    %add3A_37 = arith.constant 33048 : i32
    %add3A_38 = arith.addi %mul3A_2, %add3A_37 : i32
    %dma_wait3A_39 = tpu.memref_slice %arg3[%add3A_38] : memref<33841152xf32, #tpu.memory_space<hbm>> -> memref<33048xf32, #tpu.memory_space<hbm>>
    %dma_wait3A_40 = tpu.memref_slice %arg3[%add3A_38] : memref<33841152xf32, #tpu.memory_space<hbm>> -> memref<33048xf32, #tpu.memory_space<hbm>>
    tpu.wait_dma2 semaphore(%arg11 : memref<!tpu.dma_semaphore, #tpu.memory_space<semaphore_mem>>) src(%arg5 : memref<33048xf32, #tpu.memory_space<vmem>>) dst(%dma_wait3A_40 : memref<33048xf32, #tpu.memory_space<hbm>>)
    %add3A_41 = arith.constant 132192 : i32
    %add3A_42 = arith.addi %mul3A_2, %add3A_41 : i32
    %dma_start3A_43 = tpu.memref_slice %arg2[%add3A_42] : memref<33841152xf32, #tpu.memory_space<hbm>> -> memref<33048xf32, #tpu.memory_space<hbm>>
    %dma_start3A_44 = tpu.memref_slice %arg2[%add3A_42] : memref<33841152xf32, #tpu.memory_space<hbm>> -> memref<33048xf32, #tpu.memory_space<hbm>>
    tpu.enqueue_dma source(%dma_start3A_44 : memref<33048xf32, #tpu.memory_space<hbm>>) target(%arg5 : memref<33048xf32, #tpu.memory_space<vmem>>) target_semaphore(%arg8 : memref<!tpu.dma_semaphore, #tpu.memory_space<semaphore_mem>>)
    %add3A_45 = arith.constant 66096 : i32
    %add3A_46 = arith.addi %mul3A_2, %add3A_45 : i32
    %dma_wait3A_47 = tpu.memref_slice %arg2[%add3A_46] : memref<33841152xf32, #tpu.memory_space<hbm>> -> memref<33048xf32, #tpu.memory_space<hbm>>
    %dma_wait3A_48 = tpu.memref_slice %arg2[%add3A_46] : memref<33841152xf32, #tpu.memory_space<hbm>> -> memref<33048xf32, #tpu.memory_space<hbm>>
    tpu.wait_dma2 semaphore(%arg9 : memref<!tpu.dma_semaphore, #tpu.memory_space<semaphore_mem>>) src(%dma_wait3A_48 : memref<33048xf32, #tpu.memory_space<hbm>>) dst(%arg6 : memref<33048xf32, #tpu.memory_space<vmem>>)
    %add3A_49 = arith.constant 66096 : i32
    %add3A_50 = arith.addi %mul3A_2, %add3A_49 : i32
    %dma_start3A_51 = tpu.memref_slice %arg3[%add3A_50] : memref<33841152xf32, #tpu.memory_space<hbm>> -> memref<33048xf32, #tpu.memory_space<hbm>>
    %dma_start3A_52 = tpu.memref_slice %arg3[%add3A_50] : memref<33841152xf32, #tpu.memory_space<hbm>> -> memref<33048xf32, #tpu.memory_space<hbm>>
    tpu.enqueue_dma source(%arg6 : memref<33048xf32, #tpu.memory_space<vmem>>) target(%dma_start3A_52 : memref<33048xf32, #tpu.memory_space<hbm>>) target_semaphore(%arg12 : memref<!tpu.dma_semaphore, #tpu.memory_space<semaphore_mem>>)
    %add3A_53 = arith.constant 66096 : i32
    %add3A_54 = arith.addi %mul3A_2, %add3A_53 : i32
    %dma_wait3A_55 = tpu.memref_slice %arg3[%add3A_54] : memref<33841152xf32, #tpu.memory_space<hbm>> -> memref<33048xf32, #tpu.memory_space<hbm>>
    %dma_wait3A_56 = tpu.memref_slice %arg3[%add3A_54] : memref<33841152xf32, #tpu.memory_space<hbm>> -> memref<33048xf32, #tpu.memory_space<hbm>>
    tpu.wait_dma2 semaphore(%arg12 : memref<!tpu.dma_semaphore, #tpu.memory_space<semaphore_mem>>) src(%arg6 : memref<33048xf32, #tpu.memory_space<vmem>>) dst(%dma_wait3A_56 : memref<33048xf32, #tpu.memory_space<hbm>>)
    %add3A_57 = arith.constant 165240 : i32
    %add3A_58 = arith.addi %mul3A_2, %add3A_57 : i32
    %dma_start3A_59 = tpu.memref_slice %arg2[%add3A_58] : memref<33841152xf32, #tpu.memory_space<hbm>> -> memref<33048xf32, #tpu.memory_space<hbm>>
    %dma_start3A_60 = tpu.memref_slice %arg2[%add3A_58] : memref<33841152xf32, #tpu.memory_space<hbm>> -> memref<33048xf32, #tpu.memory_space<hbm>>
    tpu.enqueue_dma source(%dma_start3A_60 : memref<33048xf32, #tpu.memory_space<hbm>>) target(%arg6 : memref<33048xf32, #tpu.memory_space<vmem>>) target_semaphore(%arg9 : memref<!tpu.dma_semaphore, #tpu.memory_space<semaphore_mem>>)
    %add3A_61 = arith.constant 99144 : i32
    %add3A_62 = arith.addi %mul3A_2, %add3A_61 : i32
    %dma_wait3A_63 = tpu.memref_slice %arg2[%add3A_62] : memref<33841152xf32, #tpu.memory_space<hbm>> -> memref<33048xf32, #tpu.memory_space<hbm>>
    %dma_wait3A_64 = tpu.memref_slice %arg2[%add3A_62] : memref<33841152xf32, #tpu.memory_space<hbm>> -> memref<33048xf32, #tpu.memory_space<hbm>>
    tpu.wait_dma2 semaphore(%arg7 : memref<!tpu.dma_semaphore, #tpu.memory_space<semaphore_mem>>) src(%dma_wait3A_64 : memref<33048xf32, #tpu.memory_space<hbm>>) dst(%arg4 : memref<33048xf32, #tpu.memory_space<vmem>>)
    %add3A_65 = arith.constant 99144 : i32
    %add3A_66 = arith.addi %mul3A_2, %add3A_65 : i32
    %dma_start3A_67 = tpu.memref_slice %arg3[%add3A_66] : memref<33841152xf32, #tpu.memory_space<hbm>> -> memref<33048xf32, #tpu.memory_space<hbm>>
    %dma_start3A_68 = tpu.memref_slice %arg3[%add3A_66] : memref<33841152xf32, #tpu.memory_space<hbm>> -> memref<33048xf32, #tpu.memory_space<hbm>>
    tpu.enqueue_dma source(%arg4 : memref<33048xf32, #tpu.memory_space<vmem>>) target(%dma_start3A_68 : memref<33048xf32, #tpu.memory_space<hbm>>) target_semaphore(%arg10 : memref<!tpu.dma_semaphore, #tpu.memory_space<semaphore_mem>>)
    %add3A_69 = arith.constant 99144 : i32
    %add3A_70 = arith.addi %mul3A_2, %add3A_69 : i32
    %dma_wait3A_71 = tpu.memref_slice %arg3[%add3A_70] : memref<33841152xf32, #tpu.memory_space<hbm>> -> memref<33048xf32, #tpu.memory_space<hbm>>
    %dma_wait3A_72 = tpu.memref_slice %arg3[%add3A_70] : memref<33841152xf32, #tpu.memory_space<hbm>> -> memref<33048xf32, #tpu.memory_space<hbm>>
    tpu.wait_dma2 semaphore(%arg10 : memref<!tpu.dma_semaphore, #tpu.memory_space<semaphore_mem>>) src(%arg4 : memref<33048xf32, #tpu.memory_space<vmem>>) dst(%dma_wait3A_72 : memref<33048xf32, #tpu.memory_space<hbm>>)
    %add3A_73 = arith.constant 198288 : i32
    %add3A_74 = arith.addi %mul3A_2, %add3A_73 : i32
    %dma_start3A_75 = tpu.memref_slice %arg2[%add3A_74] : memref<33841152xf32, #tpu.memory_space<hbm>> -> memref<33048xf32, #tpu.memory_space<hbm>>
    %dma_start3A_76 = tpu.memref_slice %arg2[%add3A_74] : memref<33841152xf32, #tpu.memory_space<hbm>> -> memref<33048xf32, #tpu.memory_space<hbm>>
    tpu.enqueue_dma source(%dma_start3A_76 : memref<33048xf32, #tpu.memory_space<hbm>>) target(%arg4 : memref<33048xf32, #tpu.memory_space<vmem>>) target_semaphore(%arg7 : memref<!tpu.dma_semaphore, #tpu.memory_space<semaphore_mem>>)
    %add3A_77 = arith.constant 132192 : i32
    %add3A_78 = arith.addi %mul3A_2, %add3A_77 : i32
    %dma_wait3A_79 = tpu.memref_slice %arg2[%add3A_78] : memref<33841152xf32, #tpu.memory_space<hbm>> -> memref<33048xf32, #tpu.memory_space<hbm>>
    %dma_wait3A_80 = tpu.memref_slice %arg2[%add3A_78] : memref<33841152xf32, #tpu.memory_space<hbm>> -> memref<33048xf32, #tpu.memory_space<hbm>>
    tpu.wait_dma2 semaphore(%arg8 : memref<!tpu.dma_semaphore, #tpu.memory_space<semaphore_mem>>) src(%dma_wait3A_80 : memref<33048xf32, #tpu.memory_space<hbm>>) dst(%arg5 : memref<33048xf32, #tpu.memory_space<vmem>>)
    %add3A_81 = arith.constant 132192 : i32
    %add3A_82 = arith.addi %mul3A_2, %add3A_81 : i32
    %dma_start3A_83 = tpu.memref_slice %arg3[%add3A_82] : memref<33841152xf32, #tpu.memory_space<hbm>> -> memref<33048xf32, #tpu.memory_space<hbm>>
    %dma_start3A_84 = tpu.memref_slice %arg3[%add3A_82] : memref<33841152xf32, #tpu.memory_space<hbm>> -> memref<33048xf32, #tpu.memory_space<hbm>>
    tpu.enqueue_dma source(%arg5 : memref<33048xf32, #tpu.memory_space<vmem>>) target(%dma_start3A_84 : memref<33048xf32, #tpu.memory_space<hbm>>) target_semaphore(%arg11 : memref<!tpu.dma_semaphore, #tpu.memory_space<semaphore_mem>>)
    %add3A_85 = arith.constant 132192 : i32
    %add3A_86 = arith.addi %mul3A_2, %add3A_85 : i32
    %dma_wait3A_87 = tpu.memref_slice %arg3[%add3A_86] : memref<33841152xf32, #tpu.memory_space<hbm>> -> memref<33048xf32, #tpu.memory_space<hbm>>
    %dma_wait3A_88 = tpu.memref_slice %arg3[%add3A_86] : memref<33841152xf32, #tpu.memory_space<hbm>> -> memref<33048xf32, #tpu.memory_space<hbm>>
    tpu.wait_dma2 semaphore(%arg11 : memref<!tpu.dma_semaphore, #tpu.memory_space<semaphore_mem>>) src(%arg5 : memref<33048xf32, #tpu.memory_space<vmem>>) dst(%dma_wait3A_88 : memref<33048xf32, #tpu.memory_space<hbm>>)
    %add3A_89 = arith.constant 231336 : i32
    %add3A_90 = arith.addi %mul3A_2, %add3A_89 : i32
    %dma_start3A_91 = tpu.memref_slice %arg2[%add3A_90] : memref<33841152xf32, #tpu.memory_space<hbm>> -> memref<33048xf32, #tpu.memory_space<hbm>>
    %dma_start3A_92 = tpu.memref_slice %arg2[%add3A_90] : memref<33841152xf32, #tpu.memory_space<hbm>> -> memref<33048xf32, #tpu.memory_space<hbm>>
    tpu.enqueue_dma source(%dma_start3A_92 : memref<33048xf32, #tpu.memory_space<hbm>>) target(%arg5 : memref<33048xf32, #tpu.memory_space<vmem>>) target_semaphore(%arg8 : memref<!tpu.dma_semaphore, #tpu.memory_space<semaphore_mem>>)
    %add3A_93 = arith.constant 165240 : i32
    %add3A_94 = arith.addi %mul3A_2, %add3A_93 : i32
    %dma_wait3A_95 = tpu.memref_slice %arg2[%add3A_94] : memref<33841152xf32, #tpu.memory_space<hbm>> -> memref<33048xf32, #tpu.memory_space<hbm>>
    %dma_wait3A_96 = tpu.memref_slice %arg2[%add3A_94] : memref<33841152xf32, #tpu.memory_space<hbm>> -> memref<33048xf32, #tpu.memory_space<hbm>>
    tpu.wait_dma2 semaphore(%arg9 : memref<!tpu.dma_semaphore, #tpu.memory_space<semaphore_mem>>) src(%dma_wait3A_96 : memref<33048xf32, #tpu.memory_space<hbm>>) dst(%arg6 : memref<33048xf32, #tpu.memory_space<vmem>>)
    %add3A_97 = arith.constant 165240 : i32
    %add3A_98 = arith.addi %mul3A_2, %add3A_97 : i32
    %dma_start3A_99 = tpu.memref_slice %arg3[%add3A_98] : memref<33841152xf32, #tpu.memory_space<hbm>> -> memref<33048xf32, #tpu.memory_space<hbm>>
    %dma_start3A_100 = tpu.memref_slice %arg3[%add3A_98] : memref<33841152xf32, #tpu.memory_space<hbm>> -> memref<33048xf32, #tpu.memory_space<hbm>>
    tpu.enqueue_dma source(%arg6 : memref<33048xf32, #tpu.memory_space<vmem>>) target(%dma_start3A_100 : memref<33048xf32, #tpu.memory_space<hbm>>) target_semaphore(%arg12 : memref<!tpu.dma_semaphore, #tpu.memory_space<semaphore_mem>>)
    %add3A_101 = arith.constant 165240 : i32
    %add3A_102 = arith.addi %mul3A_2, %add3A_101 : i32
    %dma_wait3A_103 = tpu.memref_slice %arg3[%add3A_102] : memref<33841152xf32, #tpu.memory_space<hbm>> -> memref<33048xf32, #tpu.memory_space<hbm>>
    %dma_wait3A_104 = tpu.memref_slice %arg3[%add3A_102] : memref<33841152xf32, #tpu.memory_space<hbm>> -> memref<33048xf32, #tpu.memory_space<hbm>>
    tpu.wait_dma2 semaphore(%arg12 : memref<!tpu.dma_semaphore, #tpu.memory_space<semaphore_mem>>) src(%arg6 : memref<33048xf32, #tpu.memory_space<vmem>>) dst(%dma_wait3A_104 : memref<33048xf32, #tpu.memory_space<hbm>>)
    %add3A_105 = arith.constant 264384 : i32
    %add3A_106 = arith.addi %mul3A_2, %add3A_105 : i32
    %dma_start3A_107 = tpu.memref_slice %arg2[%add3A_106] : memref<33841152xf32, #tpu.memory_space<hbm>> -> memref<33048xf32, #tpu.memory_space<hbm>>
    %dma_start3A_108 = tpu.memref_slice %arg2[%add3A_106] : memref<33841152xf32, #tpu.memory_space<hbm>> -> memref<33048xf32, #tpu.memory_space<hbm>>
    tpu.enqueue_dma source(%dma_start3A_108 : memref<33048xf32, #tpu.memory_space<hbm>>) target(%arg6 : memref<33048xf32, #tpu.memory_space<vmem>>) target_semaphore(%arg9 : memref<!tpu.dma_semaphore, #tpu.memory_space<semaphore_mem>>)
    %add3A_109 = arith.constant 198288 : i32
    %add3A_110 = arith.addi %mul3A_2, %add3A_109 : i32
    %dma_wait3A_111 = tpu.memref_slice %arg2[%add3A_110] : memref<33841152xf32, #tpu.memory_space<hbm>> -> memref<33048xf32, #tpu.memory_space<hbm>>
    %dma_wait3A_112 = tpu.memref_slice %arg2[%add3A_110] : memref<33841152xf32, #tpu.memory_space<hbm>> -> memref<33048xf32, #tpu.memory_space<hbm>>
    tpu.wait_dma2 semaphore(%arg7 : memref<!tpu.dma_semaphore, #tpu.memory_space<semaphore_mem>>) src(%dma_wait3A_112 : memref<33048xf32, #tpu.memory_space<hbm>>) dst(%arg4 : memref<33048xf32, #tpu.memory_space<vmem>>)
    %add3A_113 = arith.constant 198288 : i32
    %add3A_114 = arith.addi %mul3A_2, %add3A_113 : i32
    %dma_start3A_115 = tpu.memref_slice %arg3[%add3A_114] : memref<33841152xf32, #tpu.memory_space<hbm>> -> memref<33048xf32, #tpu.memory_space<hbm>>
    %dma_start3A_116 = tpu.memref_slice %arg3[%add3A_114] : memref<33841152xf32, #tpu.memory_space<hbm>> -> memref<33048xf32, #tpu.memory_space<hbm>>
    tpu.enqueue_dma source(%arg4 : memref<33048xf32, #tpu.memory_space<vmem>>) target(%dma_start3A_116 : memref<33048xf32, #tpu.memory_space<hbm>>) target_semaphore(%arg10 : memref<!tpu.dma_semaphore, #tpu.memory_space<semaphore_mem>>)
    %add3A_117 = arith.constant 198288 : i32
    %add3A_118 = arith.addi %mul3A_2, %add3A_117 : i32
    %dma_wait3A_119 = tpu.memref_slice %arg3[%add3A_118] : memref<33841152xf32, #tpu.memory_space<hbm>> -> memref<33048xf32, #tpu.memory_space<hbm>>
    %dma_wait3A_120 = tpu.memref_slice %arg3[%add3A_118] : memref<33841152xf32, #tpu.memory_space<hbm>> -> memref<33048xf32, #tpu.memory_space<hbm>>
    tpu.wait_dma2 semaphore(%arg10 : memref<!tpu.dma_semaphore, #tpu.memory_space<semaphore_mem>>) src(%arg4 : memref<33048xf32, #tpu.memory_space<vmem>>) dst(%dma_wait3A_120 : memref<33048xf32, #tpu.memory_space<hbm>>)
    %add3A_121 = arith.constant 297432 : i32
    %add3A_122 = arith.addi %mul3A_2, %add3A_121 : i32
    %dma_start3A_123 = tpu.memref_slice %arg2[%add3A_122] : memref<33841152xf32, #tpu.memory_space<hbm>> -> memref<33048xf32, #tpu.memory_space<hbm>>
    %dma_start3A_124 = tpu.memref_slice %arg2[%add3A_122] : memref<33841152xf32, #tpu.memory_space<hbm>> -> memref<33048xf32, #tpu.memory_space<hbm>>
    tpu.enqueue_dma source(%dma_start3A_124 : memref<33048xf32, #tpu.memory_space<hbm>>) target(%arg4 : memref<33048xf32, #tpu.memory_space<vmem>>) target_semaphore(%arg7 : memref<!tpu.dma_semaphore, #tpu.memory_space<semaphore_mem>>)
    %add3A_125 = arith.constant 231336 : i32
    %add3A_126 = arith.addi %mul3A_2, %add3A_125 : i32
    %dma_wait3A_127 = tpu.memref_slice %arg2[%add3A_126] : memref<33841152xf32, #tpu.memory_space<hbm>> -> memref<33048xf32, #tpu.memory_space<hbm>>
    %dma_wait3A_128 = tpu.memref_slice %arg2[%add3A_126] : memref<33841152xf32, #tpu.memory_space<hbm>> -> memref<33048xf32, #tpu.memory_space<hbm>>
    tpu.wait_dma2 semaphore(%arg8 : memref<!tpu.dma_semaphore, #tpu.memory_space<semaphore_mem>>) src(%dma_wait3A_128 : memref<33048xf32, #tpu.memory_space<hbm>>) dst(%arg5 : memref<33048xf32, #tpu.memory_space<vmem>>)
    %add3A_129 = arith.constant 231336 : i32
    %add3A_130 = arith.addi %mul3A_2, %add3A_129 : i32
    %dma_start3A_131 = tpu.memref_slice %arg3[%add3A_130] : memref<33841152xf32, #tpu.memory_space<hbm>> -> memref<33048xf32, #tpu.memory_space<hbm>>
    %dma_start3A_132 = tpu.memref_slice %arg3[%add3A_130] : memref<33841152xf32, #tpu.memory_space<hbm>> -> memref<33048xf32, #tpu.memory_space<hbm>>
    tpu.enqueue_dma source(%arg5 : memref<33048xf32, #tpu.memory_space<vmem>>) target(%dma_start3A_132 : memref<33048xf32, #tpu.memory_space<hbm>>) target_semaphore(%arg11 : memref<!tpu.dma_semaphore, #tpu.memory_space<semaphore_mem>>)
    %add3A_133 = arith.constant 231336 : i32
    %add3A_134 = arith.addi %mul3A_2, %add3A_133 : i32
    %dma_wait3A_135 = tpu.memref_slice %arg3[%add3A_134] : memref<33841152xf32, #tpu.memory_space<hbm>> -> memref<33048xf32, #tpu.memory_space<hbm>>
    %dma_wait3A_136 = tpu.memref_slice %arg3[%add3A_134] : memref<33841152xf32, #tpu.memory_space<hbm>> -> memref<33048xf32, #tpu.memory_space<hbm>>
    tpu.wait_dma2 semaphore(%arg11 : memref<!tpu.dma_semaphore, #tpu.memory_space<semaphore_mem>>) src(%arg5 : memref<33048xf32, #tpu.memory_space<vmem>>) dst(%dma_wait3A_136 : memref<33048xf32, #tpu.memory_space<hbm>>)
    %add3A_137 = arith.constant 330480 : i32
    %add3A_138 = arith.addi %mul3A_2, %add3A_137 : i32
    %dma_start3A_139 = tpu.memref_slice %arg2[%add3A_138] : memref<33841152xf32, #tpu.memory_space<hbm>> -> memref<33048xf32, #tpu.memory_space<hbm>>
    %dma_start3A_140 = tpu.memref_slice %arg2[%add3A_138] : memref<33841152xf32, #tpu.memory_space<hbm>> -> memref<33048xf32, #tpu.memory_space<hbm>>
    tpu.enqueue_dma source(%dma_start3A_140 : memref<33048xf32, #tpu.memory_space<hbm>>) target(%arg5 : memref<33048xf32, #tpu.memory_space<vmem>>) target_semaphore(%arg8 : memref<!tpu.dma_semaphore, #tpu.memory_space<semaphore_mem>>)
    %add3A_141 = arith.constant 264384 : i32
    %add3A_142 = arith.addi %mul3A_2, %add3A_141 : i32
    %dma_wait3A_143 = tpu.memref_slice %arg2[%add3A_142] : memref<33841152xf32, #tpu.memory_space<hbm>> -> memref<33048xf32, #tpu.memory_space<hbm>>
    %dma_wait3A_144 = tpu.memref_slice %arg2[%add3A_142] : memref<33841152xf32, #tpu.memory_space<hbm>> -> memref<33048xf32, #tpu.memory_space<hbm>>
    tpu.wait_dma2 semaphore(%arg9 : memref<!tpu.dma_semaphore, #tpu.memory_space<semaphore_mem>>) src(%dma_wait3A_144 : memref<33048xf32, #tpu.memory_space<hbm>>) dst(%arg6 : memref<33048xf32, #tpu.memory_space<vmem>>)
    %add3A_145 = arith.constant 264384 : i32
    %add3A_146 = arith.addi %mul3A_2, %add3A_145 : i32
    %dma_start3A_147 = tpu.memref_slice %arg3[%add3A_146] : memref<33841152xf32, #tpu.memory_space<hbm>> -> memref<33048xf32, #tpu.memory_space<hbm>>
    %dma_start3A_148 = tpu.memref_slice %arg3[%add3A_146] : memref<33841152xf32, #tpu.memory_space<hbm>> -> memref<33048xf32, #tpu.memory_space<hbm>>
    tpu.enqueue_dma source(%arg6 : memref<33048xf32, #tpu.memory_space<vmem>>) target(%dma_start3A_148 : memref<33048xf32, #tpu.memory_space<hbm>>) target_semaphore(%arg12 : memref<!tpu.dma_semaphore, #tpu.memory_space<semaphore_mem>>)
    %add3A_149 = arith.constant 264384 : i32
    %add3A_150 = arith.addi %mul3A_2, %add3A_149 : i32
    %dma_wait3A_151 = tpu.memref_slice %arg3[%add3A_150] : memref<33841152xf32, #tpu.memory_space<hbm>> -> memref<33048xf32, #tpu.memory_space<hbm>>
    %dma_wait3A_152 = tpu.memref_slice %arg3[%add3A_150] : memref<33841152xf32, #tpu.memory_space<hbm>> -> memref<33048xf32, #tpu.memory_space<hbm>>
    tpu.wait_dma2 semaphore(%arg12 : memref<!tpu.dma_semaphore, #tpu.memory_space<semaphore_mem>>) src(%arg6 : memref<33048xf32, #tpu.memory_space<vmem>>) dst(%dma_wait3A_152 : memref<33048xf32, #tpu.memory_space<hbm>>)
    %add3A_153 = arith.constant 363528 : i32
    %add3A_154 = arith.addi %mul3A_2, %add3A_153 : i32
    %dma_start3A_155 = tpu.memref_slice %arg2[%add3A_154] : memref<33841152xf32, #tpu.memory_space<hbm>> -> memref<33048xf32, #tpu.memory_space<hbm>>
    %dma_start3A_156 = tpu.memref_slice %arg2[%add3A_154] : memref<33841152xf32, #tpu.memory_space<hbm>> -> memref<33048xf32, #tpu.memory_space<hbm>>
    tpu.enqueue_dma source(%dma_start3A_156 : memref<33048xf32, #tpu.memory_space<hbm>>) target(%arg6 : memref<33048xf32, #tpu.memory_space<vmem>>) target_semaphore(%arg9 : memref<!tpu.dma_semaphore, #tpu.memory_space<semaphore_mem>>)
    %add3A_157 = arith.constant 297432 : i32
    %add3A_158 = arith.addi %mul3A_2, %add3A_157 : i32
    %dma_wait3A_159 = tpu.memref_slice %arg2[%add3A_158] : memref<33841152xf32, #tpu.memory_space<hbm>> -> memref<33048xf32, #tpu.memory_space<hbm>>
    %dma_wait3A_160 = tpu.memref_slice %arg2[%add3A_158] : memref<33841152xf32, #tpu.memory_space<hbm>> -> memref<33048xf32, #tpu.memory_space<hbm>>
    tpu.wait_dma2 semaphore(%arg7 : memref<!tpu.dma_semaphore, #tpu.memory_space<semaphore_mem>>) src(%dma_wait3A_160 : memref<33048xf32, #tpu.memory_space<hbm>>) dst(%arg4 : memref<33048xf32, #tpu.memory_space<vmem>>)
    %add3A_161 = arith.constant 297432 : i32
    %add3A_162 = arith.addi %mul3A_2, %add3A_161 : i32
    %dma_start3A_163 = tpu.memref_slice %arg3[%add3A_162] : memref<33841152xf32, #tpu.memory_space<hbm>> -> memref<33048xf32, #tpu.memory_space<hbm>>
    %dma_start3A_164 = tpu.memref_slice %arg3[%add3A_162] : memref<33841152xf32, #tpu.memory_space<hbm>> -> memref<33048xf32, #tpu.memory_space<hbm>>
    tpu.enqueue_dma source(%arg4 : memref<33048xf32, #tpu.memory_space<vmem>>) target(%dma_start3A_164 : memref<33048xf32, #tpu.memory_space<hbm>>) target_semaphore(%arg10 : memref<!tpu.dma_semaphore, #tpu.memory_space<semaphore_mem>>)
    %add3A_165 = arith.constant 297432 : i32
    %add3A_166 = arith.addi %mul3A_2, %add3A_165 : i32
    %dma_wait3A_167 = tpu.memref_slice %arg3[%add3A_166] : memref<33841152xf32, #tpu.memory_space<hbm>> -> memref<33048xf32, #tpu.memory_space<hbm>>
    %dma_wait3A_168 = tpu.memref_slice %arg3[%add3A_166] : memref<33841152xf32, #tpu.memory_space<hbm>> -> memref<33048xf32, #tpu.memory_space<hbm>>
    tpu.wait_dma2 semaphore(%arg10 : memref<!tpu.dma_semaphore, #tpu.memory_space<semaphore_mem>>) src(%arg4 : memref<33048xf32, #tpu.memory_space<vmem>>) dst(%dma_wait3A_168 : memref<33048xf32, #tpu.memory_space<hbm>>)
    %add3A_169 = arith.constant 396576 : i32
    %add3A_170 = arith.addi %mul3A_2, %add3A_169 : i32
    %dma_start3A_171 = tpu.memref_slice %arg2[%add3A_170] : memref<33841152xf32, #tpu.memory_space<hbm>> -> memref<33048xf32, #tpu.memory_space<hbm>>
    %dma_start3A_172 = tpu.memref_slice %arg2[%add3A_170] : memref<33841152xf32, #tpu.memory_space<hbm>> -> memref<33048xf32, #tpu.memory_space<hbm>>
    tpu.enqueue_dma source(%dma_start3A_172 : memref<33048xf32, #tpu.memory_space<hbm>>) target(%arg4 : memref<33048xf32, #tpu.memory_space<vmem>>) target_semaphore(%arg7 : memref<!tpu.dma_semaphore, #tpu.memory_space<semaphore_mem>>)
    %add3A_173 = arith.constant 330480 : i32
    %add3A_174 = arith.addi %mul3A_2, %add3A_173 : i32
    %dma_wait3A_175 = tpu.memref_slice %arg2[%add3A_174] : memref<33841152xf32, #tpu.memory_space<hbm>> -> memref<33048xf32, #tpu.memory_space<hbm>>
    %dma_wait3A_176 = tpu.memref_slice %arg2[%add3A_174] : memref<33841152xf32, #tpu.memory_space<hbm>> -> memref<33048xf32, #tpu.memory_space<hbm>>
    tpu.wait_dma2 semaphore(%arg8 : memref<!tpu.dma_semaphore, #tpu.memory_space<semaphore_mem>>) src(%dma_wait3A_176 : memref<33048xf32, #tpu.memory_space<hbm>>) dst(%arg5 : memref<33048xf32, #tpu.memory_space<vmem>>)
    %add3A_177 = arith.constant 330480 : i32
    %add3A_178 = arith.addi %mul3A_2, %add3A_177 : i32
    %dma_start3A_179 = tpu.memref_slice %arg3[%add3A_178] : memref<33841152xf32, #tpu.memory_space<hbm>> -> memref<33048xf32, #tpu.memory_space<hbm>>
    %dma_start3A_180 = tpu.memref_slice %arg3[%add3A_178] : memref<33841152xf32, #tpu.memory_space<hbm>> -> memref<33048xf32, #tpu.memory_space<hbm>>
    tpu.enqueue_dma source(%arg5 : memref<33048xf32, #tpu.memory_space<vmem>>) target(%dma_start3A_180 : memref<33048xf32, #tpu.memory_space<hbm>>) target_semaphore(%arg11 : memref<!tpu.dma_semaphore, #tpu.memory_space<semaphore_mem>>)
    %add3A_181 = arith.constant 330480 : i32
    %add3A_182 = arith.addi %mul3A_2, %add3A_181 : i32
    %dma_wait3A_183 = tpu.memref_slice %arg3[%add3A_182] : memref<33841152xf32, #tpu.memory_space<hbm>> -> memref<33048xf32, #tpu.memory_space<hbm>>
    %dma_wait3A_184 = tpu.memref_slice %arg3[%add3A_182] : memref<33841152xf32, #tpu.memory_space<hbm>> -> memref<33048xf32, #tpu.memory_space<hbm>>
    tpu.wait_dma2 semaphore(%arg11 : memref<!tpu.dma_semaphore, #tpu.memory_space<semaphore_mem>>) src(%arg5 : memref<33048xf32, #tpu.memory_space<vmem>>) dst(%dma_wait3A_184 : memref<33048xf32, #tpu.memory_space<hbm>>)
    %add3A_185 = arith.constant 429624 : i32
    %add3A_186 = arith.addi %mul3A_2, %add3A_185 : i32
    %dma_start3A_187 = tpu.memref_slice %arg2[%add3A_186] : memref<33841152xf32, #tpu.memory_space<hbm>> -> memref<33048xf32, #tpu.memory_space<hbm>>
    %dma_start3A_188 = tpu.memref_slice %arg2[%add3A_186] : memref<33841152xf32, #tpu.memory_space<hbm>> -> memref<33048xf32, #tpu.memory_space<hbm>>
    tpu.enqueue_dma source(%dma_start3A_188 : memref<33048xf32, #tpu.memory_space<hbm>>) target(%arg5 : memref<33048xf32, #tpu.memory_space<vmem>>) target_semaphore(%arg8 : memref<!tpu.dma_semaphore, #tpu.memory_space<semaphore_mem>>)
    %add3A_189 = arith.constant 363528 : i32
    %add3A_190 = arith.addi %mul3A_2, %add3A_189 : i32
    %dma_wait3A_191 = tpu.memref_slice %arg2[%add3A_190] : memref<33841152xf32, #tpu.memory_space<hbm>> -> memref<33048xf32, #tpu.memory_space<hbm>>
    %dma_wait3A_192 = tpu.memref_slice %arg2[%add3A_190] : memref<33841152xf32, #tpu.memory_space<hbm>> -> memref<33048xf32, #tpu.memory_space<hbm>>
    tpu.wait_dma2 semaphore(%arg9 : memref<!tpu.dma_semaphore, #tpu.memory_space<semaphore_mem>>) src(%dma_wait3A_192 : memref<33048xf32, #tpu.memory_space<hbm>>) dst(%arg6 : memref<33048xf32, #tpu.memory_space<vmem>>)
    %add3A_193 = arith.constant 363528 : i32
    %add3A_194 = arith.addi %mul3A_2, %add3A_193 : i32
    %dma_start3A_195 = tpu.memref_slice %arg3[%add3A_194] : memref<33841152xf32, #tpu.memory_space<hbm>> -> memref<33048xf32, #tpu.memory_space<hbm>>
    %dma_start3A_196 = tpu.memref_slice %arg3[%add3A_194] : memref<33841152xf32, #tpu.memory_space<hbm>> -> memref<33048xf32, #tpu.memory_space<hbm>>
    tpu.enqueue_dma source(%arg6 : memref<33048xf32, #tpu.memory_space<vmem>>) target(%dma_start3A_196 : memref<33048xf32, #tpu.memory_space<hbm>>) target_semaphore(%arg12 : memref<!tpu.dma_semaphore, #tpu.memory_space<semaphore_mem>>)
    %add3A_197 = arith.constant 363528 : i32
    %add3A_198 = arith.addi %mul3A_2, %add3A_197 : i32
    %dma_wait3A_199 = tpu.memref_slice %arg3[%add3A_198] : memref<33841152xf32, #tpu.memory_space<hbm>> -> memref<33048xf32, #tpu.memory_space<hbm>>
    %dma_wait3A_200 = tpu.memref_slice %arg3[%add3A_198] : memref<33841152xf32, #tpu.memory_space<hbm>> -> memref<33048xf32, #tpu.memory_space<hbm>>
    tpu.wait_dma2 semaphore(%arg12 : memref<!tpu.dma_semaphore, #tpu.memory_space<semaphore_mem>>) src(%arg6 : memref<33048xf32, #tpu.memory_space<vmem>>) dst(%dma_wait3A_200 : memref<33048xf32, #tpu.memory_space<hbm>>)
    %add3A_201 = arith.constant 462672 : i32
    %add3A_202 = arith.addi %mul3A_2, %add3A_201 : i32
    %dma_start3A_203 = tpu.memref_slice %arg2[%add3A_202] : memref<33841152xf32, #tpu.memory_space<hbm>> -> memref<33048xf32, #tpu.memory_space<hbm>>
    %dma_start3A_204 = tpu.memref_slice %arg2[%add3A_202] : memref<33841152xf32, #tpu.memory_space<hbm>> -> memref<33048xf32, #tpu.memory_space<hbm>>
    tpu.enqueue_dma source(%dma_start3A_204 : memref<33048xf32, #tpu.memory_space<hbm>>) target(%arg6 : memref<33048xf32, #tpu.memory_space<vmem>>) target_semaphore(%arg9 : memref<!tpu.dma_semaphore, #tpu.memory_space<semaphore_mem>>)
    %add3A_205 = arith.constant 396576 : i32
    %add3A_206 = arith.addi %mul3A_2, %add3A_205 : i32
    %dma_wait3A_207 = tpu.memref_slice %arg2[%add3A_206] : memref<33841152xf32, #tpu.memory_space<hbm>> -> memref<33048xf32, #tpu.memory_space<hbm>>
    %dma_wait3A_208 = tpu.memref_slice %arg2[%add3A_206] : memref<33841152xf32, #tpu.memory_space<hbm>> -> memref<33048xf32, #tpu.memory_space<hbm>>
    tpu.wait_dma2 semaphore(%arg7 : memref<!tpu.dma_semaphore, #tpu.memory_space<semaphore_mem>>) src(%dma_wait3A_208 : memref<33048xf32, #tpu.memory_space<hbm>>) dst(%arg4 : memref<33048xf32, #tpu.memory_space<vmem>>)
    %add3A_209 = arith.constant 396576 : i32
    %add3A_210 = arith.addi %mul3A_2, %add3A_209 : i32
    %dma_start3A_211 = tpu.memref_slice %arg3[%add3A_210] : memref<33841152xf32, #tpu.memory_space<hbm>> -> memref<33048xf32, #tpu.memory_space<hbm>>
    %dma_start3A_212 = tpu.memref_slice %arg3[%add3A_210] : memref<33841152xf32, #tpu.memory_space<hbm>> -> memref<33048xf32, #tpu.memory_space<hbm>>
    tpu.enqueue_dma source(%arg4 : memref<33048xf32, #tpu.memory_space<vmem>>) target(%dma_start3A_212 : memref<33048xf32, #tpu.memory_space<hbm>>) target_semaphore(%arg10 : memref<!tpu.dma_semaphore, #tpu.memory_space<semaphore_mem>>)
    %add3A_213 = arith.constant 396576 : i32
    %add3A_214 = arith.addi %mul3A_2, %add3A_213 : i32
    %dma_wait3A_215 = tpu.memref_slice %arg3[%add3A_214] : memref<33841152xf32, #tpu.memory_space<hbm>> -> memref<33048xf32, #tpu.memory_space<hbm>>
    %dma_wait3A_216 = tpu.memref_slice %arg3[%add3A_214] : memref<33841152xf32, #tpu.memory_space<hbm>> -> memref<33048xf32, #tpu.memory_space<hbm>>
    tpu.wait_dma2 semaphore(%arg10 : memref<!tpu.dma_semaphore, #tpu.memory_space<semaphore_mem>>) src(%arg4 : memref<33048xf32, #tpu.memory_space<vmem>>) dst(%dma_wait3A_216 : memref<33048xf32, #tpu.memory_space<hbm>>)
    %add3A_217 = arith.constant 495720 : i32
    %add3A_218 = arith.addi %mul3A_2, %add3A_217 : i32
    %dma_start3A_219 = tpu.memref_slice %arg2[%add3A_218] : memref<33841152xf32, #tpu.memory_space<hbm>> -> memref<33048xf32, #tpu.memory_space<hbm>>
    %dma_start3A_220 = tpu.memref_slice %arg2[%add3A_218] : memref<33841152xf32, #tpu.memory_space<hbm>> -> memref<33048xf32, #tpu.memory_space<hbm>>
    tpu.enqueue_dma source(%dma_start3A_220 : memref<33048xf32, #tpu.memory_space<hbm>>) target(%arg4 : memref<33048xf32, #tpu.memory_space<vmem>>) target_semaphore(%arg7 : memref<!tpu.dma_semaphore, #tpu.memory_space<semaphore_mem>>)
    %add3A_221 = arith.constant 429624 : i32
    %add3A_222 = arith.addi %mul3A_2, %add3A_221 : i32
    %dma_wait3A_223 = tpu.memref_slice %arg2[%add3A_222] : memref<33841152xf32, #tpu.memory_space<hbm>> -> memref<33048xf32, #tpu.memory_space<hbm>>
    %dma_wait3A_224 = tpu.memref_slice %arg2[%add3A_222] : memref<33841152xf32, #tpu.memory_space<hbm>> -> memref<33048xf32, #tpu.memory_space<hbm>>
    tpu.wait_dma2 semaphore(%arg8 : memref<!tpu.dma_semaphore, #tpu.memory_space<semaphore_mem>>) src(%dma_wait3A_224 : memref<33048xf32, #tpu.memory_space<hbm>>) dst(%arg5 : memref<33048xf32, #tpu.memory_space<vmem>>)
    %add3A_225 = arith.constant 429624 : i32
    %add3A_226 = arith.addi %mul3A_2, %add3A_225 : i32
    %dma_start3A_227 = tpu.memref_slice %arg3[%add3A_226] : memref<33841152xf32, #tpu.memory_space<hbm>> -> memref<33048xf32, #tpu.memory_space<hbm>>
    %dma_start3A_228 = tpu.memref_slice %arg3[%add3A_226] : memref<33841152xf32, #tpu.memory_space<hbm>> -> memref<33048xf32, #tpu.memory_space<hbm>>
    tpu.enqueue_dma source(%arg5 : memref<33048xf32, #tpu.memory_space<vmem>>) target(%dma_start3A_228 : memref<33048xf32, #tpu.memory_space<hbm>>) target_semaphore(%arg11 : memref<!tpu.dma_semaphore, #tpu.memory_space<semaphore_mem>>)
    %add3A_229 = arith.constant 429624 : i32
    %add3A_230 = arith.addi %mul3A_2, %add3A_229 : i32
    %dma_wait3A_231 = tpu.memref_slice %arg3[%add3A_230] : memref<33841152xf32, #tpu.memory_space<hbm>> -> memref<33048xf32, #tpu.memory_space<hbm>>
    %dma_wait3A_232 = tpu.memref_slice %arg3[%add3A_230] : memref<33841152xf32, #tpu.memory_space<hbm>> -> memref<33048xf32, #tpu.memory_space<hbm>>
    tpu.wait_dma2 semaphore(%arg11 : memref<!tpu.dma_semaphore, #tpu.memory_space<semaphore_mem>>) src(%arg5 : memref<33048xf32, #tpu.memory_space<vmem>>) dst(%dma_wait3A_232 : memref<33048xf32, #tpu.memory_space<hbm>>)
    %add3A_233 = arith.constant 528768 : i32
    %add3A_234 = arith.addi %mul3A_2, %add3A_233 : i32
    %dma_start3A_235 = tpu.memref_slice %arg2[%add3A_234] : memref<33841152xf32, #tpu.memory_space<hbm>> -> memref<33048xf32, #tpu.memory_space<hbm>>
    %dma_start3A_236 = tpu.memref_slice %arg2[%add3A_234] : memref<33841152xf32, #tpu.memory_space<hbm>> -> memref<33048xf32, #tpu.memory_space<hbm>>
    tpu.enqueue_dma source(%dma_start3A_236 : memref<33048xf32, #tpu.memory_space<hbm>>) target(%arg5 : memref<33048xf32, #tpu.memory_space<vmem>>) target_semaphore(%arg8 : memref<!tpu.dma_semaphore, #tpu.memory_space<semaphore_mem>>)
    %add3A_237 = arith.constant 462672 : i32
    %add3A_238 = arith.addi %mul3A_2, %add3A_237 : i32
    %dma_wait3A_239 = tpu.memref_slice %arg2[%add3A_238] : memref<33841152xf32, #tpu.memory_space<hbm>> -> memref<33048xf32, #tpu.memory_space<hbm>>
    %dma_wait3A_240 = tpu.memref_slice %arg2[%add3A_238] : memref<33841152xf32, #tpu.memory_space<hbm>> -> memref<33048xf32, #tpu.memory_space<hbm>>
    tpu.wait_dma2 semaphore(%arg9 : memref<!tpu.dma_semaphore, #tpu.memory_space<semaphore_mem>>) src(%dma_wait3A_240 : memref<33048xf32, #tpu.memory_space<hbm>>) dst(%arg6 : memref<33048xf32, #tpu.memory_space<vmem>>)
    %add3A_241 = arith.constant 462672 : i32
    %add3A_242 = arith.addi %mul3A_2, %add3A_241 : i32
    %dma_start3A_243 = tpu.memref_slice %arg3[%add3A_242] : memref<33841152xf32, #tpu.memory_space<hbm>> -> memref<33048xf32, #tpu.memory_space<hbm>>
    %dma_start3A_244 = tpu.memref_slice %arg3[%add3A_242] : memref<33841152xf32, #tpu.memory_space<hbm>> -> memref<33048xf32, #tpu.memory_space<hbm>>
    tpu.enqueue_dma source(%arg6 : memref<33048xf32, #tpu.memory_space<vmem>>) target(%dma_start3A_244 : memref<33048xf32, #tpu.memory_space<hbm>>) target_semaphore(%arg12 : memref<!tpu.dma_semaphore, #tpu.memory_space<semaphore_mem>>)
    %add3A_245 = arith.constant 462672 : i32
    %add3A_246 = arith.addi %mul3A_2, %add3A_245 : i32
    %dma_wait3A_247 = tpu.memref_slice %arg3[%add3A_246] : memref<33841152xf32, #tpu.memory_space<hbm>> -> memref<33048xf32, #tpu.memory_space<hbm>>
    %dma_wait3A_248 = tpu.memref_slice %arg3[%add3A_246] : memref<33841152xf32, #tpu.memory_space<hbm>> -> memref<33048xf32, #tpu.memory_space<hbm>>
    tpu.wait_dma2 semaphore(%arg12 : memref<!tpu.dma_semaphore, #tpu.memory_space<semaphore_mem>>) src(%arg6 : memref<33048xf32, #tpu.memory_space<vmem>>) dst(%dma_wait3A_248 : memref<33048xf32, #tpu.memory_space<hbm>>)
    %add3A_249 = arith.constant 561816 : i32
    %add3A_250 = arith.addi %mul3A_2, %add3A_249 : i32
    %dma_start3A_251 = tpu.memref_slice %arg2[%add3A_250] : memref<33841152xf32, #tpu.memory_space<hbm>> -> memref<33048xf32, #tpu.memory_space<hbm>>
    %dma_start3A_252 = tpu.memref_slice %arg2[%add3A_250] : memref<33841152xf32, #tpu.memory_space<hbm>> -> memref<33048xf32, #tpu.memory_space<hbm>>
    tpu.enqueue_dma source(%dma_start3A_252 : memref<33048xf32, #tpu.memory_space<hbm>>) target(%arg6 : memref<33048xf32, #tpu.memory_space<vmem>>) target_semaphore(%arg9 : memref<!tpu.dma_semaphore, #tpu.memory_space<semaphore_mem>>)
    %add3A_253 = arith.constant 495720 : i32
    %add3A_254 = arith.addi %mul3A_2, %add3A_253 : i32
    %dma_wait3A_255 = tpu.memref_slice %arg2[%add3A_254] : memref<33841152xf32, #tpu.memory_space<hbm>> -> memref<33048xf32, #tpu.memory_space<hbm>>
    %dma_wait3A_256 = tpu.memref_slice %arg2[%add3A_254] : memref<33841152xf32, #tpu.memory_space<hbm>> -> memref<33048xf32, #tpu.memory_space<hbm>>
    tpu.wait_dma2 semaphore(%arg7 : memref<!tpu.dma_semaphore, #tpu.memory_space<semaphore_mem>>) src(%dma_wait3A_256 : memref<33048xf32, #tpu.memory_space<hbm>>) dst(%arg4 : memref<33048xf32, #tpu.memory_space<vmem>>)
    %add3A_257 = arith.constant 495720 : i32
    %add3A_258 = arith.addi %mul3A_2, %add3A_257 : i32
    %dma_start3A_259 = tpu.memref_slice %arg3[%add3A_258] : memref<33841152xf32, #tpu.memory_space<hbm>> -> memref<33048xf32, #tpu.memory_space<hbm>>
    %dma_start3A_260 = tpu.memref_slice %arg3[%add3A_258] : memref<33841152xf32, #tpu.memory_space<hbm>> -> memref<33048xf32, #tpu.memory_space<hbm>>
    tpu.enqueue_dma source(%arg4 : memref<33048xf32, #tpu.memory_space<vmem>>) target(%dma_start3A_260 : memref<33048xf32, #tpu.memory_space<hbm>>) target_semaphore(%arg10 : memref<!tpu.dma_semaphore, #tpu.memory_space<semaphore_mem>>)
    %add3A_261 = arith.constant 495720 : i32
    %add3A_262 = arith.addi %mul3A_2, %add3A_261 : i32
    %dma_wait3A_263 = tpu.memref_slice %arg3[%add3A_262] : memref<33841152xf32, #tpu.memory_space<hbm>> -> memref<33048xf32, #tpu.memory_space<hbm>>
    %dma_wait3A_264 = tpu.memref_slice %arg3[%add3A_262] : memref<33841152xf32, #tpu.memory_space<hbm>> -> memref<33048xf32, #tpu.memory_space<hbm>>
    tpu.wait_dma2 semaphore(%arg10 : memref<!tpu.dma_semaphore, #tpu.memory_space<semaphore_mem>>) src(%arg4 : memref<33048xf32, #tpu.memory_space<vmem>>) dst(%dma_wait3A_264 : memref<33048xf32, #tpu.memory_space<hbm>>)
    %add3A_265 = arith.constant 594864 : i32
    %add3A_266 = arith.addi %mul3A_2, %add3A_265 : i32
    %dma_start3A_267 = tpu.memref_slice %arg2[%add3A_266] : memref<33841152xf32, #tpu.memory_space<hbm>> -> memref<33048xf32, #tpu.memory_space<hbm>>
    %dma_start3A_268 = tpu.memref_slice %arg2[%add3A_266] : memref<33841152xf32, #tpu.memory_space<hbm>> -> memref<33048xf32, #tpu.memory_space<hbm>>
    tpu.enqueue_dma source(%dma_start3A_268 : memref<33048xf32, #tpu.memory_space<hbm>>) target(%arg4 : memref<33048xf32, #tpu.memory_space<vmem>>) target_semaphore(%arg7 : memref<!tpu.dma_semaphore, #tpu.memory_space<semaphore_mem>>)
    %add3A_269 = arith.constant 528768 : i32
    %add3A_270 = arith.addi %mul3A_2, %add3A_269 : i32
    %dma_wait3A_271 = tpu.memref_slice %arg2[%add3A_270] : memref<33841152xf32, #tpu.memory_space<hbm>> -> memref<33048xf32, #tpu.memory_space<hbm>>
    %dma_wait3A_272 = tpu.memref_slice %arg2[%add3A_270] : memref<33841152xf32, #tpu.memory_space<hbm>> -> memref<33048xf32, #tpu.memory_space<hbm>>
    tpu.wait_dma2 semaphore(%arg8 : memref<!tpu.dma_semaphore, #tpu.memory_space<semaphore_mem>>) src(%dma_wait3A_272 : memref<33048xf32, #tpu.memory_space<hbm>>) dst(%arg5 : memref<33048xf32, #tpu.memory_space<vmem>>)
    %add3A_273 = arith.constant 528768 : i32
    %add3A_274 = arith.addi %mul3A_2, %add3A_273 : i32
    %dma_start3A_275 = tpu.memref_slice %arg3[%add3A_274] : memref<33841152xf32, #tpu.memory_space<hbm>> -> memref<33048xf32, #tpu.memory_space<hbm>>
    %dma_start3A_276 = tpu.memref_slice %arg3[%add3A_274] : memref<33841152xf32, #tpu.memory_space<hbm>> -> memref<33048xf32, #tpu.memory_space<hbm>>
    tpu.enqueue_dma source(%arg5 : memref<33048xf32, #tpu.memory_space<vmem>>) target(%dma_start3A_276 : memref<33048xf32, #tpu.memory_space<hbm>>) target_semaphore(%arg11 : memref<!tpu.dma_semaphore, #tpu.memory_space<semaphore_mem>>)
    %add3A_277 = arith.constant 528768 : i32
    %add3A_278 = arith.addi %mul3A_2, %add3A_277 : i32
    %dma_wait3A_279 = tpu.memref_slice %arg3[%add3A_278] : memref<33841152xf32, #tpu.memory_space<hbm>> -> memref<33048xf32, #tpu.memory_space<hbm>>
    %dma_wait3A_280 = tpu.memref_slice %arg3[%add3A_278] : memref<33841152xf32, #tpu.memory_space<hbm>> -> memref<33048xf32, #tpu.memory_space<hbm>>
    tpu.wait_dma2 semaphore(%arg11 : memref<!tpu.dma_semaphore, #tpu.memory_space<semaphore_mem>>) src(%arg5 : memref<33048xf32, #tpu.memory_space<vmem>>) dst(%dma_wait3A_280 : memref<33048xf32, #tpu.memory_space<hbm>>)
    %add3A_281 = arith.constant 627912 : i32
    %add3A_282 = arith.addi %mul3A_2, %add3A_281 : i32
    %dma_start3A_283 = tpu.memref_slice %arg2[%add3A_282] : memref<33841152xf32, #tpu.memory_space<hbm>> -> memref<33048xf32, #tpu.memory_space<hbm>>
    %dma_start3A_284 = tpu.memref_slice %arg2[%add3A_282] : memref<33841152xf32, #tpu.memory_space<hbm>> -> memref<33048xf32, #tpu.memory_space<hbm>>
    tpu.enqueue_dma source(%dma_start3A_284 : memref<33048xf32, #tpu.memory_space<hbm>>) target(%arg5 : memref<33048xf32, #tpu.memory_space<vmem>>) target_semaphore(%arg8 : memref<!tpu.dma_semaphore, #tpu.memory_space<semaphore_mem>>)
    %add3A_285 = arith.constant 561816 : i32
    %add3A_286 = arith.addi %mul3A_2, %add3A_285 : i32
    %dma_wait3A_287 = tpu.memref_slice %arg2[%add3A_286] : memref<33841152xf32, #tpu.memory_space<hbm>> -> memref<33048xf32, #tpu.memory_space<hbm>>
    %dma_wait3A_288 = tpu.memref_slice %arg2[%add3A_286] : memref<33841152xf32, #tpu.memory_space<hbm>> -> memref<33048xf32, #tpu.memory_space<hbm>>
    tpu.wait_dma2 semaphore(%arg9 : memref<!tpu.dma_semaphore, #tpu.memory_space<semaphore_mem>>) src(%dma_wait3A_288 : memref<33048xf32, #tpu.memory_space<hbm>>) dst(%arg6 : memref<33048xf32, #tpu.memory_space<vmem>>)
    %add3A_289 = arith.constant 561816 : i32
    %add3A_290 = arith.addi %mul3A_2, %add3A_289 : i32
    %dma_start3A_291 = tpu.memref_slice %arg3[%add3A_290] : memref<33841152xf32, #tpu.memory_space<hbm>> -> memref<33048xf32, #tpu.memory_space<hbm>>
    %dma_start3A_292 = tpu.memref_slice %arg3[%add3A_290] : memref<33841152xf32, #tpu.memory_space<hbm>> -> memref<33048xf32, #tpu.memory_space<hbm>>
    tpu.enqueue_dma source(%arg6 : memref<33048xf32, #tpu.memory_space<vmem>>) target(%dma_start3A_292 : memref<33048xf32, #tpu.memory_space<hbm>>) target_semaphore(%arg12 : memref<!tpu.dma_semaphore, #tpu.memory_space<semaphore_mem>>)
    %add3A_293 = arith.constant 561816 : i32
    %add3A_294 = arith.addi %mul3A_2, %add3A_293 : i32
    %dma_wait3A_295 = tpu.memref_slice %arg3[%add3A_294] : memref<33841152xf32, #tpu.memory_space<hbm>> -> memref<33048xf32, #tpu.memory_space<hbm>>
    %dma_wait3A_296 = tpu.memref_slice %arg3[%add3A_294] : memref<33841152xf32, #tpu.memory_space<hbm>> -> memref<33048xf32, #tpu.memory_space<hbm>>
    tpu.wait_dma2 semaphore(%arg12 : memref<!tpu.dma_semaphore, #tpu.memory_space<semaphore_mem>>) src(%arg6 : memref<33048xf32, #tpu.memory_space<vmem>>) dst(%dma_wait3A_296 : memref<33048xf32, #tpu.memory_space<hbm>>)
    %add3A_297 = arith.constant 660960 : i32
    %add3A_298 = arith.addi %mul3A_2, %add3A_297 : i32
    %dma_start3A_299 = tpu.memref_slice %arg2[%add3A_298] : memref<33841152xf32, #tpu.memory_space<hbm>> -> memref<33048xf32, #tpu.memory_space<hbm>>
    %dma_start3A_300 = tpu.memref_slice %arg2[%add3A_298] : memref<33841152xf32, #tpu.memory_space<hbm>> -> memref<33048xf32, #tpu.memory_space<hbm>>
    tpu.enqueue_dma source(%dma_start3A_300 : memref<33048xf32, #tpu.memory_space<hbm>>) target(%arg6 : memref<33048xf32, #tpu.memory_space<vmem>>) target_semaphore(%arg9 : memref<!tpu.dma_semaphore, #tpu.memory_space<semaphore_mem>>)
    %add3A_301 = arith.constant 594864 : i32
    %add3A_302 = arith.addi %mul3A_2, %add3A_301 : i32
    %dma_wait3A_303 = tpu.memref_slice %arg2[%add3A_302] : memref<33841152xf32, #tpu.memory_space<hbm>> -> memref<33048xf32, #tpu.memory_space<hbm>>
    %dma_wait3A_304 = tpu.memref_slice %arg2[%add3A_302] : memref<33841152xf32, #tpu.memory_space<hbm>> -> memref<33048xf32, #tpu.memory_space<hbm>>
    tpu.wait_dma2 semaphore(%arg7 : memref<!tpu.dma_semaphore, #tpu.memory_space<semaphore_mem>>) src(%dma_wait3A_304 : memref<33048xf32, #tpu.memory_space<hbm>>) dst(%arg4 : memref<33048xf32, #tpu.memory_space<vmem>>)
    %add3A_305 = arith.constant 594864 : i32
    %add3A_306 = arith.addi %mul3A_2, %add3A_305 : i32
    %dma_start3A_307 = tpu.memref_slice %arg3[%add3A_306] : memref<33841152xf32, #tpu.memory_space<hbm>> -> memref<33048xf32, #tpu.memory_space<hbm>>
    %dma_start3A_308 = tpu.memref_slice %arg3[%add3A_306] : memref<33841152xf32, #tpu.memory_space<hbm>> -> memref<33048xf32, #tpu.memory_space<hbm>>
    tpu.enqueue_dma source(%arg4 : memref<33048xf32, #tpu.memory_space<vmem>>) target(%dma_start3A_308 : memref<33048xf32, #tpu.memory_space<hbm>>) target_semaphore(%arg10 : memref<!tpu.dma_semaphore, #tpu.memory_space<semaphore_mem>>)
    %add3A_309 = arith.constant 594864 : i32
    %add3A_310 = arith.addi %mul3A_2, %add3A_309 : i32
    %dma_wait3A_311 = tpu.memref_slice %arg3[%add3A_310] : memref<33841152xf32, #tpu.memory_space<hbm>> -> memref<33048xf32, #tpu.memory_space<hbm>>
    %dma_wait3A_312 = tpu.memref_slice %arg3[%add3A_310] : memref<33841152xf32, #tpu.memory_space<hbm>> -> memref<33048xf32, #tpu.memory_space<hbm>>
    tpu.wait_dma2 semaphore(%arg10 : memref<!tpu.dma_semaphore, #tpu.memory_space<semaphore_mem>>) src(%arg4 : memref<33048xf32, #tpu.memory_space<vmem>>) dst(%dma_wait3A_312 : memref<33048xf32, #tpu.memory_space<hbm>>)
    %add3A_313 = arith.constant 694008 : i32
    %add3A_314 = arith.addi %mul3A_2, %add3A_313 : i32
    %dma_start3A_315 = tpu.memref_slice %arg2[%add3A_314] : memref<33841152xf32, #tpu.memory_space<hbm>> -> memref<33048xf32, #tpu.memory_space<hbm>>
    %dma_start3A_316 = tpu.memref_slice %arg2[%add3A_314] : memref<33841152xf32, #tpu.memory_space<hbm>> -> memref<33048xf32, #tpu.memory_space<hbm>>
    tpu.enqueue_dma source(%dma_start3A_316 : memref<33048xf32, #tpu.memory_space<hbm>>) target(%arg4 : memref<33048xf32, #tpu.memory_space<vmem>>) target_semaphore(%arg7 : memref<!tpu.dma_semaphore, #tpu.memory_space<semaphore_mem>>)
    %add3A_317 = arith.constant 627912 : i32
    %add3A_318 = arith.addi %mul3A_2, %add3A_317 : i32
    %dma_wait3A_319 = tpu.memref_slice %arg2[%add3A_318] : memref<33841152xf32, #tpu.memory_space<hbm>> -> memref<33048xf32, #tpu.memory_space<hbm>>
    %dma_wait3A_320 = tpu.memref_slice %arg2[%add3A_318] : memref<33841152xf32, #tpu.memory_space<hbm>> -> memref<33048xf32, #tpu.memory_space<hbm>>
    tpu.wait_dma2 semaphore(%arg8 : memref<!tpu.dma_semaphore, #tpu.memory_space<semaphore_mem>>) src(%dma_wait3A_320 : memref<33048xf32, #tpu.memory_space<hbm>>) dst(%arg5 : memref<33048xf32, #tpu.memory_space<vmem>>)
    %add3A_321 = arith.constant 627912 : i32
    %add3A_322 = arith.addi %mul3A_2, %add3A_321 : i32
    %dma_start3A_323 = tpu.memref_slice %arg3[%add3A_322] : memref<33841152xf32, #tpu.memory_space<hbm>> -> memref<33048xf32, #tpu.memory_space<hbm>>
    %dma_start3A_324 = tpu.memref_slice %arg3[%add3A_322] : memref<33841152xf32, #tpu.memory_space<hbm>> -> memref<33048xf32, #tpu.memory_space<hbm>>
    tpu.enqueue_dma source(%arg5 : memref<33048xf32, #tpu.memory_space<vmem>>) target(%dma_start3A_324 : memref<33048xf32, #tpu.memory_space<hbm>>) target_semaphore(%arg11 : memref<!tpu.dma_semaphore, #tpu.memory_space<semaphore_mem>>)
    %add3A_325 = arith.constant 627912 : i32
    %add3A_326 = arith.addi %mul3A_2, %add3A_325 : i32
    %dma_wait3A_327 = tpu.memref_slice %arg3[%add3A_326] : memref<33841152xf32, #tpu.memory_space<hbm>> -> memref<33048xf32, #tpu.memory_space<hbm>>
    %dma_wait3A_328 = tpu.memref_slice %arg3[%add3A_326] : memref<33841152xf32, #tpu.memory_space<hbm>> -> memref<33048xf32, #tpu.memory_space<hbm>>
    tpu.wait_dma2 semaphore(%arg11 : memref<!tpu.dma_semaphore, #tpu.memory_space<semaphore_mem>>) src(%arg5 : memref<33048xf32, #tpu.memory_space<vmem>>) dst(%dma_wait3A_328 : memref<33048xf32, #tpu.memory_space<hbm>>)
    %add3A_329 = arith.constant 727056 : i32
    %add3A_330 = arith.addi %mul3A_2, %add3A_329 : i32
    %dma_start3A_331 = tpu.memref_slice %arg2[%add3A_330] : memref<33841152xf32, #tpu.memory_space<hbm>> -> memref<33048xf32, #tpu.memory_space<hbm>>
    %dma_start3A_332 = tpu.memref_slice %arg2[%add3A_330] : memref<33841152xf32, #tpu.memory_space<hbm>> -> memref<33048xf32, #tpu.memory_space<hbm>>
    tpu.enqueue_dma source(%dma_start3A_332 : memref<33048xf32, #tpu.memory_space<hbm>>) target(%arg5 : memref<33048xf32, #tpu.memory_space<vmem>>) target_semaphore(%arg8 : memref<!tpu.dma_semaphore, #tpu.memory_space<semaphore_mem>>)
    %add3A_333 = arith.constant 660960 : i32
    %add3A_334 = arith.addi %mul3A_2, %add3A_333 : i32
    %dma_wait3A_335 = tpu.memref_slice %arg2[%add3A_334] : memref<33841152xf32, #tpu.memory_space<hbm>> -> memref<33048xf32, #tpu.memory_space<hbm>>
    %dma_wait3A_336 = tpu.memref_slice %arg2[%add3A_334] : memref<33841152xf32, #tpu.memory_space<hbm>> -> memref<33048xf32, #tpu.memory_space<hbm>>
    tpu.wait_dma2 semaphore(%arg9 : memref<!tpu.dma_semaphore, #tpu.memory_space<semaphore_mem>>) src(%dma_wait3A_336 : memref<33048xf32, #tpu.memory_space<hbm>>) dst(%arg6 : memref<33048xf32, #tpu.memory_space<vmem>>)
    %add3A_337 = arith.constant 660960 : i32
    %add3A_338 = arith.addi %mul3A_2, %add3A_337 : i32
    %dma_start3A_339 = tpu.memref_slice %arg3[%add3A_338] : memref<33841152xf32, #tpu.memory_space<hbm>> -> memref<33048xf32, #tpu.memory_space<hbm>>
    %dma_start3A_340 = tpu.memref_slice %arg3[%add3A_338] : memref<33841152xf32, #tpu.memory_space<hbm>> -> memref<33048xf32, #tpu.memory_space<hbm>>
    tpu.enqueue_dma source(%arg6 : memref<33048xf32, #tpu.memory_space<vmem>>) target(%dma_start3A_340 : memref<33048xf32, #tpu.memory_space<hbm>>) target_semaphore(%arg12 : memref<!tpu.dma_semaphore, #tpu.memory_space<semaphore_mem>>)
    %add3A_341 = arith.constant 660960 : i32
    %add3A_342 = arith.addi %mul3A_2, %add3A_341 : i32
    %dma_wait3A_343 = tpu.memref_slice %arg3[%add3A_342] : memref<33841152xf32, #tpu.memory_space<hbm>> -> memref<33048xf32, #tpu.memory_space<hbm>>
    %dma_wait3A_344 = tpu.memref_slice %arg3[%add3A_342] : memref<33841152xf32, #tpu.memory_space<hbm>> -> memref<33048xf32, #tpu.memory_space<hbm>>
    tpu.wait_dma2 semaphore(%arg12 : memref<!tpu.dma_semaphore, #tpu.memory_space<semaphore_mem>>) src(%arg6 : memref<33048xf32, #tpu.memory_space<vmem>>) dst(%dma_wait3A_344 : memref<33048xf32, #tpu.memory_space<hbm>>)
    %add3A_345 = arith.constant 760104 : i32
    %add3A_346 = arith.addi %mul3A_2, %add3A_345 : i32
    %dma_start3A_347 = tpu.memref_slice %arg2[%add3A_346] : memref<33841152xf32, #tpu.memory_space<hbm>> -> memref<33048xf32, #tpu.memory_space<hbm>>
    %dma_start3A_348 = tpu.memref_slice %arg2[%add3A_346] : memref<33841152xf32, #tpu.memory_space<hbm>> -> memref<33048xf32, #tpu.memory_space<hbm>>
    tpu.enqueue_dma source(%dma_start3A_348 : memref<33048xf32, #tpu.memory_space<hbm>>) target(%arg6 : memref<33048xf32, #tpu.memory_space<vmem>>) target_semaphore(%arg9 : memref<!tpu.dma_semaphore, #tpu.memory_space<semaphore_mem>>)
    %add3A_349 = arith.constant 694008 : i32
    %add3A_350 = arith.addi %mul3A_2, %add3A_349 : i32
    %dma_wait3A_351 = tpu.memref_slice %arg2[%add3A_350] : memref<33841152xf32, #tpu.memory_space<hbm>> -> memref<33048xf32, #tpu.memory_space<hbm>>
    %dma_wait3A_352 = tpu.memref_slice %arg2[%add3A_350] : memref<33841152xf32, #tpu.memory_space<hbm>> -> memref<33048xf32, #tpu.memory_space<hbm>>
    tpu.wait_dma2 semaphore(%arg7 : memref<!tpu.dma_semaphore, #tpu.memory_space<semaphore_mem>>) src(%dma_wait3A_352 : memref<33048xf32, #tpu.memory_space<hbm>>) dst(%arg4 : memref<33048xf32, #tpu.memory_space<vmem>>)
    %add3A_353 = arith.constant 694008 : i32
    %add3A_354 = arith.addi %mul3A_2, %add3A_353 : i32
    %dma_start3A_355 = tpu.memref_slice %arg3[%add3A_354] : memref<33841152xf32, #tpu.memory_space<hbm>> -> memref<33048xf32, #tpu.memory_space<hbm>>
    %dma_start3A_356 = tpu.memref_slice %arg3[%add3A_354] : memref<33841152xf32, #tpu.memory_space<hbm>> -> memref<33048xf32, #tpu.memory_space<hbm>>
    tpu.enqueue_dma source(%arg4 : memref<33048xf32, #tpu.memory_space<vmem>>) target(%dma_start3A_356 : memref<33048xf32, #tpu.memory_space<hbm>>) target_semaphore(%arg10 : memref<!tpu.dma_semaphore, #tpu.memory_space<semaphore_mem>>)
    %add3A_357 = arith.constant 694008 : i32
    %add3A_358 = arith.addi %mul3A_2, %add3A_357 : i32
    %dma_wait3A_359 = tpu.memref_slice %arg3[%add3A_358] : memref<33841152xf32, #tpu.memory_space<hbm>> -> memref<33048xf32, #tpu.memory_space<hbm>>
    %dma_wait3A_360 = tpu.memref_slice %arg3[%add3A_358] : memref<33841152xf32, #tpu.memory_space<hbm>> -> memref<33048xf32, #tpu.memory_space<hbm>>
    tpu.wait_dma2 semaphore(%arg10 : memref<!tpu.dma_semaphore, #tpu.memory_space<semaphore_mem>>) src(%arg4 : memref<33048xf32, #tpu.memory_space<vmem>>) dst(%dma_wait3A_360 : memref<33048xf32, #tpu.memory_space<hbm>>)
    %add3A_361 = arith.constant 793152 : i32
    %add3A_362 = arith.addi %mul3A_2, %add3A_361 : i32
    %dma_start3A_363 = tpu.memref_slice %arg2[%add3A_362] : memref<33841152xf32, #tpu.memory_space<hbm>> -> memref<33048xf32, #tpu.memory_space<hbm>>
    %dma_start3A_364 = tpu.memref_slice %arg2[%add3A_362] : memref<33841152xf32, #tpu.memory_space<hbm>> -> memref<33048xf32, #tpu.memory_space<hbm>>
    tpu.enqueue_dma source(%dma_start3A_364 : memref<33048xf32, #tpu.memory_space<hbm>>) target(%arg4 : memref<33048xf32, #tpu.memory_space<vmem>>) target_semaphore(%arg7 : memref<!tpu.dma_semaphore, #tpu.memory_space<semaphore_mem>>)
    %add3A_365 = arith.constant 727056 : i32
    %add3A_366 = arith.addi %mul3A_2, %add3A_365 : i32
    %dma_wait3A_367 = tpu.memref_slice %arg2[%add3A_366] : memref<33841152xf32, #tpu.memory_space<hbm>> -> memref<33048xf32, #tpu.memory_space<hbm>>
    %dma_wait3A_368 = tpu.memref_slice %arg2[%add3A_366] : memref<33841152xf32, #tpu.memory_space<hbm>> -> memref<33048xf32, #tpu.memory_space<hbm>>
    tpu.wait_dma2 semaphore(%arg8 : memref<!tpu.dma_semaphore, #tpu.memory_space<semaphore_mem>>) src(%dma_wait3A_368 : memref<33048xf32, #tpu.memory_space<hbm>>) dst(%arg5 : memref<33048xf32, #tpu.memory_space<vmem>>)
    %add3A_369 = arith.constant 727056 : i32
    %add3A_370 = arith.addi %mul3A_2, %add3A_369 : i32
    %dma_start3A_371 = tpu.memref_slice %arg3[%add3A_370] : memref<33841152xf32, #tpu.memory_space<hbm>> -> memref<33048xf32, #tpu.memory_space<hbm>>
    %dma_start3A_372 = tpu.memref_slice %arg3[%add3A_370] : memref<33841152xf32, #tpu.memory_space<hbm>> -> memref<33048xf32, #tpu.memory_space<hbm>>
    tpu.enqueue_dma source(%arg5 : memref<33048xf32, #tpu.memory_space<vmem>>) target(%dma_start3A_372 : memref<33048xf32, #tpu.memory_space<hbm>>) target_semaphore(%arg11 : memref<!tpu.dma_semaphore, #tpu.memory_space<semaphore_mem>>)
    %add3A_373 = arith.constant 727056 : i32
    %add3A_374 = arith.addi %mul3A_2, %add3A_373 : i32
    %dma_wait3A_375 = tpu.memref_slice %arg3[%add3A_374] : memref<33841152xf32, #tpu.memory_space<hbm>> -> memref<33048xf32, #tpu.memory_space<hbm>>
    %dma_wait3A_376 = tpu.memref_slice %arg3[%add3A_374] : memref<33841152xf32, #tpu.memory_space<hbm>> -> memref<33048xf32, #tpu.memory_space<hbm>>
    tpu.wait_dma2 semaphore(%arg11 : memref<!tpu.dma_semaphore, #tpu.memory_space<semaphore_mem>>) src(%arg5 : memref<33048xf32, #tpu.memory_space<vmem>>) dst(%dma_wait3A_376 : memref<33048xf32, #tpu.memory_space<hbm>>)
    %add3A_377 = arith.constant 826200 : i32
    %add3A_378 = arith.addi %mul3A_2, %add3A_377 : i32
    %dma_start3A_379 = tpu.memref_slice %arg2[%add3A_378] : memref<33841152xf32, #tpu.memory_space<hbm>> -> memref<33048xf32, #tpu.memory_space<hbm>>
    %dma_start3A_380 = tpu.memref_slice %arg2[%add3A_378] : memref<33841152xf32, #tpu.memory_space<hbm>> -> memref<33048xf32, #tpu.memory_space<hbm>>
    tpu.enqueue_dma source(%dma_start3A_380 : memref<33048xf32, #tpu.memory_space<hbm>>) target(%arg5 : memref<33048xf32, #tpu.memory_space<vmem>>) target_semaphore(%arg8 : memref<!tpu.dma_semaphore, #tpu.memory_space<semaphore_mem>>)
    %add3A_381 = arith.constant 760104 : i32
    %add3A_382 = arith.addi %mul3A_2, %add3A_381 : i32
    %dma_wait3A_383 = tpu.memref_slice %arg2[%add3A_382] : memref<33841152xf32, #tpu.memory_space<hbm>> -> memref<33048xf32, #tpu.memory_space<hbm>>
    %dma_wait3A_384 = tpu.memref_slice %arg2[%add3A_382] : memref<33841152xf32, #tpu.memory_space<hbm>> -> memref<33048xf32, #tpu.memory_space<hbm>>
    tpu.wait_dma2 semaphore(%arg9 : memref<!tpu.dma_semaphore, #tpu.memory_space<semaphore_mem>>) src(%dma_wait3A_384 : memref<33048xf32, #tpu.memory_space<hbm>>) dst(%arg6 : memref<33048xf32, #tpu.memory_space<vmem>>)
    %add3A_385 = arith.constant 760104 : i32
    %add3A_386 = arith.addi %mul3A_2, %add3A_385 : i32
    %dma_start3A_387 = tpu.memref_slice %arg3[%add3A_386] : memref<33841152xf32, #tpu.memory_space<hbm>> -> memref<33048xf32, #tpu.memory_space<hbm>>
    %dma_start3A_388 = tpu.memref_slice %arg3[%add3A_386] : memref<33841152xf32, #tpu.memory_space<hbm>> -> memref<33048xf32, #tpu.memory_space<hbm>>
    tpu.enqueue_dma source(%arg6 : memref<33048xf32, #tpu.memory_space<vmem>>) target(%dma_start3A_388 : memref<33048xf32, #tpu.memory_space<hbm>>) target_semaphore(%arg12 : memref<!tpu.dma_semaphore, #tpu.memory_space<semaphore_mem>>)
    %add3A_389 = arith.constant 760104 : i32
    %add3A_390 = arith.addi %mul3A_2, %add3A_389 : i32
    %dma_wait3A_391 = tpu.memref_slice %arg3[%add3A_390] : memref<33841152xf32, #tpu.memory_space<hbm>> -> memref<33048xf32, #tpu.memory_space<hbm>>
    %dma_wait3A_392 = tpu.memref_slice %arg3[%add3A_390] : memref<33841152xf32, #tpu.memory_space<hbm>> -> memref<33048xf32, #tpu.memory_space<hbm>>
    tpu.wait_dma2 semaphore(%arg12 : memref<!tpu.dma_semaphore, #tpu.memory_space<semaphore_mem>>) src(%arg6 : memref<33048xf32, #tpu.memory_space<vmem>>) dst(%dma_wait3A_392 : memref<33048xf32, #tpu.memory_space<hbm>>)
    %add3A_393 = arith.constant 859248 : i32
    %add3A_394 = arith.addi %mul3A_2, %add3A_393 : i32
    %dma_start3A_395 = tpu.memref_slice %arg2[%add3A_394] : memref<33841152xf32, #tpu.memory_space<hbm>> -> memref<33048xf32, #tpu.memory_space<hbm>>
    %dma_start3A_396 = tpu.memref_slice %arg2[%add3A_394] : memref<33841152xf32, #tpu.memory_space<hbm>> -> memref<33048xf32, #tpu.memory_space<hbm>>
    tpu.enqueue_dma source(%dma_start3A_396 : memref<33048xf32, #tpu.memory_space<hbm>>) target(%arg6 : memref<33048xf32, #tpu.memory_space<vmem>>) target_semaphore(%arg9 : memref<!tpu.dma_semaphore, #tpu.memory_space<semaphore_mem>>)
    %add3A_397 = arith.constant 793152 : i32
    %add3A_398 = arith.addi %mul3A_2, %add3A_397 : i32
    %dma_wait3A_399 = tpu.memref_slice %arg2[%add3A_398] : memref<33841152xf32, #tpu.memory_space<hbm>> -> memref<33048xf32, #tpu.memory_space<hbm>>
    %dma_wait3A_400 = tpu.memref_slice %arg2[%add3A_398] : memref<33841152xf32, #tpu.memory_space<hbm>> -> memref<33048xf32, #tpu.memory_space<hbm>>
    tpu.wait_dma2 semaphore(%arg7 : memref<!tpu.dma_semaphore, #tpu.memory_space<semaphore_mem>>) src(%dma_wait3A_400 : memref<33048xf32, #tpu.memory_space<hbm>>) dst(%arg4 : memref<33048xf32, #tpu.memory_space<vmem>>)
    %add3A_401 = arith.constant 793152 : i32
    %add3A_402 = arith.addi %mul3A_2, %add3A_401 : i32
    %dma_start3A_403 = tpu.memref_slice %arg3[%add3A_402] : memref<33841152xf32, #tpu.memory_space<hbm>> -> memref<33048xf32, #tpu.memory_space<hbm>>
    %dma_start3A_404 = tpu.memref_slice %arg3[%add3A_402] : memref<33841152xf32, #tpu.memory_space<hbm>> -> memref<33048xf32, #tpu.memory_space<hbm>>
    tpu.enqueue_dma source(%arg4 : memref<33048xf32, #tpu.memory_space<vmem>>) target(%dma_start3A_404 : memref<33048xf32, #tpu.memory_space<hbm>>) target_semaphore(%arg10 : memref<!tpu.dma_semaphore, #tpu.memory_space<semaphore_mem>>)
    %add3A_405 = arith.constant 793152 : i32
    %add3A_406 = arith.addi %mul3A_2, %add3A_405 : i32
    %dma_wait3A_407 = tpu.memref_slice %arg3[%add3A_406] : memref<33841152xf32, #tpu.memory_space<hbm>> -> memref<33048xf32, #tpu.memory_space<hbm>>
    %dma_wait3A_408 = tpu.memref_slice %arg3[%add3A_406] : memref<33841152xf32, #tpu.memory_space<hbm>> -> memref<33048xf32, #tpu.memory_space<hbm>>
    tpu.wait_dma2 semaphore(%arg10 : memref<!tpu.dma_semaphore, #tpu.memory_space<semaphore_mem>>) src(%arg4 : memref<33048xf32, #tpu.memory_space<vmem>>) dst(%dma_wait3A_408 : memref<33048xf32, #tpu.memory_space<hbm>>)
    %add3A_409 = arith.constant 892296 : i32
    %add3A_410 = arith.addi %mul3A_2, %add3A_409 : i32
    %dma_start3A_411 = tpu.memref_slice %arg2[%add3A_410] : memref<33841152xf32, #tpu.memory_space<hbm>> -> memref<33048xf32, #tpu.memory_space<hbm>>
    %dma_start3A_412 = tpu.memref_slice %arg2[%add3A_410] : memref<33841152xf32, #tpu.memory_space<hbm>> -> memref<33048xf32, #tpu.memory_space<hbm>>
    tpu.enqueue_dma source(%dma_start3A_412 : memref<33048xf32, #tpu.memory_space<hbm>>) target(%arg4 : memref<33048xf32, #tpu.memory_space<vmem>>) target_semaphore(%arg7 : memref<!tpu.dma_semaphore, #tpu.memory_space<semaphore_mem>>)
    %add3A_413 = arith.constant 826200 : i32
    %add3A_414 = arith.addi %mul3A_2, %add3A_413 : i32
    %dma_wait3A_415 = tpu.memref_slice %arg2[%add3A_414] : memref<33841152xf32, #tpu.memory_space<hbm>> -> memref<33048xf32, #tpu.memory_space<hbm>>
    %dma_wait3A_416 = tpu.memref_slice %arg2[%add3A_414] : memref<33841152xf32, #tpu.memory_space<hbm>> -> memref<33048xf32, #tpu.memory_space<hbm>>
    tpu.wait_dma2 semaphore(%arg8 : memref<!tpu.dma_semaphore, #tpu.memory_space<semaphore_mem>>) src(%dma_wait3A_416 : memref<33048xf32, #tpu.memory_space<hbm>>) dst(%arg5 : memref<33048xf32, #tpu.memory_space<vmem>>)
    %add3A_417 = arith.constant 826200 : i32
    %add3A_418 = arith.addi %mul3A_2, %add3A_417 : i32
    %dma_start3A_419 = tpu.memref_slice %arg3[%add3A_418] : memref<33841152xf32, #tpu.memory_space<hbm>> -> memref<33048xf32, #tpu.memory_space<hbm>>
    %dma_start3A_420 = tpu.memref_slice %arg3[%add3A_418] : memref<33841152xf32, #tpu.memory_space<hbm>> -> memref<33048xf32, #tpu.memory_space<hbm>>
    tpu.enqueue_dma source(%arg5 : memref<33048xf32, #tpu.memory_space<vmem>>) target(%dma_start3A_420 : memref<33048xf32, #tpu.memory_space<hbm>>) target_semaphore(%arg11 : memref<!tpu.dma_semaphore, #tpu.memory_space<semaphore_mem>>)
    %add3A_421 = arith.constant 826200 : i32
    %add3A_422 = arith.addi %mul3A_2, %add3A_421 : i32
    %dma_wait3A_423 = tpu.memref_slice %arg3[%add3A_422] : memref<33841152xf32, #tpu.memory_space<hbm>> -> memref<33048xf32, #tpu.memory_space<hbm>>
    %dma_wait3A_424 = tpu.memref_slice %arg3[%add3A_422] : memref<33841152xf32, #tpu.memory_space<hbm>> -> memref<33048xf32, #tpu.memory_space<hbm>>
    tpu.wait_dma2 semaphore(%arg11 : memref<!tpu.dma_semaphore, #tpu.memory_space<semaphore_mem>>) src(%arg5 : memref<33048xf32, #tpu.memory_space<vmem>>) dst(%dma_wait3A_424 : memref<33048xf32, #tpu.memory_space<hbm>>)
    %add3A_425 = arith.constant 925344 : i32
    %add3A_426 = arith.addi %mul3A_2, %add3A_425 : i32
    %dma_start3A_427 = tpu.memref_slice %arg2[%add3A_426] : memref<33841152xf32, #tpu.memory_space<hbm>> -> memref<33048xf32, #tpu.memory_space<hbm>>
    %dma_start3A_428 = tpu.memref_slice %arg2[%add3A_426] : memref<33841152xf32, #tpu.memory_space<hbm>> -> memref<33048xf32, #tpu.memory_space<hbm>>
    tpu.enqueue_dma source(%dma_start3A_428 : memref<33048xf32, #tpu.memory_space<hbm>>) target(%arg5 : memref<33048xf32, #tpu.memory_space<vmem>>) target_semaphore(%arg8 : memref<!tpu.dma_semaphore, #tpu.memory_space<semaphore_mem>>)
    %add3A_429 = arith.constant 859248 : i32
    %add3A_430 = arith.addi %mul3A_2, %add3A_429 : i32
    %dma_wait3A_431 = tpu.memref_slice %arg2[%add3A_430] : memref<33841152xf32, #tpu.memory_space<hbm>> -> memref<33048xf32, #tpu.memory_space<hbm>>
    %dma_wait3A_432 = tpu.memref_slice %arg2[%add3A_430] : memref<33841152xf32, #tpu.memory_space<hbm>> -> memref<33048xf32, #tpu.memory_space<hbm>>
    tpu.wait_dma2 semaphore(%arg9 : memref<!tpu.dma_semaphore, #tpu.memory_space<semaphore_mem>>) src(%dma_wait3A_432 : memref<33048xf32, #tpu.memory_space<hbm>>) dst(%arg6 : memref<33048xf32, #tpu.memory_space<vmem>>)
    %add3A_433 = arith.constant 859248 : i32
    %add3A_434 = arith.addi %mul3A_2, %add3A_433 : i32
    %dma_start3A_435 = tpu.memref_slice %arg3[%add3A_434] : memref<33841152xf32, #tpu.memory_space<hbm>> -> memref<33048xf32, #tpu.memory_space<hbm>>
    %dma_start3A_436 = tpu.memref_slice %arg3[%add3A_434] : memref<33841152xf32, #tpu.memory_space<hbm>> -> memref<33048xf32, #tpu.memory_space<hbm>>
    tpu.enqueue_dma source(%arg6 : memref<33048xf32, #tpu.memory_space<vmem>>) target(%dma_start3A_436 : memref<33048xf32, #tpu.memory_space<hbm>>) target_semaphore(%arg12 : memref<!tpu.dma_semaphore, #tpu.memory_space<semaphore_mem>>)
    %add3A_437 = arith.constant 859248 : i32
    %add3A_438 = arith.addi %mul3A_2, %add3A_437 : i32
    %dma_wait3A_439 = tpu.memref_slice %arg3[%add3A_438] : memref<33841152xf32, #tpu.memory_space<hbm>> -> memref<33048xf32, #tpu.memory_space<hbm>>
    %dma_wait3A_440 = tpu.memref_slice %arg3[%add3A_438] : memref<33841152xf32, #tpu.memory_space<hbm>> -> memref<33048xf32, #tpu.memory_space<hbm>>
    tpu.wait_dma2 semaphore(%arg12 : memref<!tpu.dma_semaphore, #tpu.memory_space<semaphore_mem>>) src(%arg6 : memref<33048xf32, #tpu.memory_space<vmem>>) dst(%dma_wait3A_440 : memref<33048xf32, #tpu.memory_space<hbm>>)
    %add3A_441 = arith.constant 958392 : i32
    %add3A_442 = arith.addi %mul3A_2, %add3A_441 : i32
    %dma_start3A_443 = tpu.memref_slice %arg2[%add3A_442] : memref<33841152xf32, #tpu.memory_space<hbm>> -> memref<33048xf32, #tpu.memory_space<hbm>>
    %dma_start3A_444 = tpu.memref_slice %arg2[%add3A_442] : memref<33841152xf32, #tpu.memory_space<hbm>> -> memref<33048xf32, #tpu.memory_space<hbm>>
    tpu.enqueue_dma source(%dma_start3A_444 : memref<33048xf32, #tpu.memory_space<hbm>>) target(%arg6 : memref<33048xf32, #tpu.memory_space<vmem>>) target_semaphore(%arg9 : memref<!tpu.dma_semaphore, #tpu.memory_space<semaphore_mem>>)
    %add3A_445 = arith.constant 892296 : i32
    %add3A_446 = arith.addi %mul3A_2, %add3A_445 : i32
    %dma_wait3A_447 = tpu.memref_slice %arg2[%add3A_446] : memref<33841152xf32, #tpu.memory_space<hbm>> -> memref<33048xf32, #tpu.memory_space<hbm>>
    %dma_wait3A_448 = tpu.memref_slice %arg2[%add3A_446] : memref<33841152xf32, #tpu.memory_space<hbm>> -> memref<33048xf32, #tpu.memory_space<hbm>>
    tpu.wait_dma2 semaphore(%arg7 : memref<!tpu.dma_semaphore, #tpu.memory_space<semaphore_mem>>) src(%dma_wait3A_448 : memref<33048xf32, #tpu.memory_space<hbm>>) dst(%arg4 : memref<33048xf32, #tpu.memory_space<vmem>>)
    %add3A_449 = arith.constant 892296 : i32
    %add3A_450 = arith.addi %mul3A_2, %add3A_449 : i32
    %dma_start3A_451 = tpu.memref_slice %arg3[%add3A_450] : memref<33841152xf32, #tpu.memory_space<hbm>> -> memref<33048xf32, #tpu.memory_space<hbm>>
    %dma_start3A_452 = tpu.memref_slice %arg3[%add3A_450] : memref<33841152xf32, #tpu.memory_space<hbm>> -> memref<33048xf32, #tpu.memory_space<hbm>>
    tpu.enqueue_dma source(%arg4 : memref<33048xf32, #tpu.memory_space<vmem>>) target(%dma_start3A_452 : memref<33048xf32, #tpu.memory_space<hbm>>) target_semaphore(%arg10 : memref<!tpu.dma_semaphore, #tpu.memory_space<semaphore_mem>>)
    %add3A_453 = arith.constant 892296 : i32
    %add3A_454 = arith.addi %mul3A_2, %add3A_453 : i32
    %dma_wait3A_455 = tpu.memref_slice %arg3[%add3A_454] : memref<33841152xf32, #tpu.memory_space<hbm>> -> memref<33048xf32, #tpu.memory_space<hbm>>
    %dma_wait3A_456 = tpu.memref_slice %arg3[%add3A_454] : memref<33841152xf32, #tpu.memory_space<hbm>> -> memref<33048xf32, #tpu.memory_space<hbm>>
    tpu.wait_dma2 semaphore(%arg10 : memref<!tpu.dma_semaphore, #tpu.memory_space<semaphore_mem>>) src(%arg4 : memref<33048xf32, #tpu.memory_space<vmem>>) dst(%dma_wait3A_456 : memref<33048xf32, #tpu.memory_space<hbm>>)
    %add3A_457 = arith.constant 991440 : i32
    %add3A_458 = arith.addi %mul3A_2, %add3A_457 : i32
    %dma_start3A_459 = tpu.memref_slice %arg2[%add3A_458] : memref<33841152xf32, #tpu.memory_space<hbm>> -> memref<33048xf32, #tpu.memory_space<hbm>>
    %dma_start3A_460 = tpu.memref_slice %arg2[%add3A_458] : memref<33841152xf32, #tpu.memory_space<hbm>> -> memref<33048xf32, #tpu.memory_space<hbm>>
    tpu.enqueue_dma source(%dma_start3A_460 : memref<33048xf32, #tpu.memory_space<hbm>>) target(%arg4 : memref<33048xf32, #tpu.memory_space<vmem>>) target_semaphore(%arg7 : memref<!tpu.dma_semaphore, #tpu.memory_space<semaphore_mem>>)
    %add3A_461 = arith.constant 925344 : i32
    %add3A_462 = arith.addi %mul3A_2, %add3A_461 : i32
    %dma_wait3A_463 = tpu.memref_slice %arg2[%add3A_462] : memref<33841152xf32, #tpu.memory_space<hbm>> -> memref<33048xf32, #tpu.memory_space<hbm>>
    %dma_wait3A_464 = tpu.memref_slice %arg2[%add3A_462] : memref<33841152xf32, #tpu.memory_space<hbm>> -> memref<33048xf32, #tpu.memory_space<hbm>>
    tpu.wait_dma2 semaphore(%arg8 : memref<!tpu.dma_semaphore, #tpu.memory_space<semaphore_mem>>) src(%dma_wait3A_464 : memref<33048xf32, #tpu.memory_space<hbm>>) dst(%arg5 : memref<33048xf32, #tpu.memory_space<vmem>>)
    %add3A_465 = arith.constant 925344 : i32
    %add3A_466 = arith.addi %mul3A_2, %add3A_465 : i32
    %dma_start3A_467 = tpu.memref_slice %arg3[%add3A_466] : memref<33841152xf32, #tpu.memory_space<hbm>> -> memref<33048xf32, #tpu.memory_space<hbm>>
    %dma_start3A_468 = tpu.memref_slice %arg3[%add3A_466] : memref<33841152xf32, #tpu.memory_space<hbm>> -> memref<33048xf32, #tpu.memory_space<hbm>>
    tpu.enqueue_dma source(%arg5 : memref<33048xf32, #tpu.memory_space<vmem>>) target(%dma_start3A_468 : memref<33048xf32, #tpu.memory_space<hbm>>) target_semaphore(%arg11 : memref<!tpu.dma_semaphore, #tpu.memory_space<semaphore_mem>>)
    %add3A_469 = arith.constant 925344 : i32
    %add3A_470 = arith.addi %mul3A_2, %add3A_469 : i32
    %dma_wait3A_471 = tpu.memref_slice %arg3[%add3A_470] : memref<33841152xf32, #tpu.memory_space<hbm>> -> memref<33048xf32, #tpu.memory_space<hbm>>
    %dma_wait3A_472 = tpu.memref_slice %arg3[%add3A_470] : memref<33841152xf32, #tpu.memory_space<hbm>> -> memref<33048xf32, #tpu.memory_space<hbm>>
    tpu.wait_dma2 semaphore(%arg11 : memref<!tpu.dma_semaphore, #tpu.memory_space<semaphore_mem>>) src(%arg5 : memref<33048xf32, #tpu.memory_space<vmem>>) dst(%dma_wait3A_472 : memref<33048xf32, #tpu.memory_space<hbm>>)
    %add3A_473 = arith.constant 1024488 : i32
    %add3A_474 = arith.addi %mul3A_2, %add3A_473 : i32
    %dma_start3A_475 = tpu.memref_slice %arg2[%add3A_474] : memref<33841152xf32, #tpu.memory_space<hbm>> -> memref<33048xf32, #tpu.memory_space<hbm>>
    %dma_start3A_476 = tpu.memref_slice %arg2[%add3A_474] : memref<33841152xf32, #tpu.memory_space<hbm>> -> memref<33048xf32, #tpu.memory_space<hbm>>
    tpu.enqueue_dma source(%dma_start3A_476 : memref<33048xf32, #tpu.memory_space<hbm>>) target(%arg5 : memref<33048xf32, #tpu.memory_space<vmem>>) target_semaphore(%arg8 : memref<!tpu.dma_semaphore, #tpu.memory_space<semaphore_mem>>)
    %add3A_477 = arith.constant 958392 : i32
    %add3A_478 = arith.addi %mul3A_2, %add3A_477 : i32
    %dma_wait3A_479 = tpu.memref_slice %arg2[%add3A_478] : memref<33841152xf32, #tpu.memory_space<hbm>> -> memref<33048xf32, #tpu.memory_space<hbm>>
    %dma_wait3A_480 = tpu.memref_slice %arg2[%add3A_478] : memref<33841152xf32, #tpu.memory_space<hbm>> -> memref<33048xf32, #tpu.memory_space<hbm>>
    tpu.wait_dma2 semaphore(%arg9 : memref<!tpu.dma_semaphore, #tpu.memory_space<semaphore_mem>>) src(%dma_wait3A_480 : memref<33048xf32, #tpu.memory_space<hbm>>) dst(%arg6 : memref<33048xf32, #tpu.memory_space<vmem>>)
    %add3A_481 = arith.constant 958392 : i32
    %add3A_482 = arith.addi %mul3A_2, %add3A_481 : i32
    %dma_start3A_483 = tpu.memref_slice %arg3[%add3A_482] : memref<33841152xf32, #tpu.memory_space<hbm>> -> memref<33048xf32, #tpu.memory_space<hbm>>
    %dma_start3A_484 = tpu.memref_slice %arg3[%add3A_482] : memref<33841152xf32, #tpu.memory_space<hbm>> -> memref<33048xf32, #tpu.memory_space<hbm>>
    tpu.enqueue_dma source(%arg6 : memref<33048xf32, #tpu.memory_space<vmem>>) target(%dma_start3A_484 : memref<33048xf32, #tpu.memory_space<hbm>>) target_semaphore(%arg12 : memref<!tpu.dma_semaphore, #tpu.memory_space<semaphore_mem>>)
    %add3A_485 = arith.constant 991440 : i32
    %add3A_486 = arith.addi %mul3A_2, %add3A_485 : i32
    %dma_wait3A_487 = tpu.memref_slice %arg2[%add3A_486] : memref<33841152xf32, #tpu.memory_space<hbm>> -> memref<33048xf32, #tpu.memory_space<hbm>>
    %dma_wait3A_488 = tpu.memref_slice %arg2[%add3A_486] : memref<33841152xf32, #tpu.memory_space<hbm>> -> memref<33048xf32, #tpu.memory_space<hbm>>
    tpu.wait_dma2 semaphore(%arg7 : memref<!tpu.dma_semaphore, #tpu.memory_space<semaphore_mem>>) src(%dma_wait3A_488 : memref<33048xf32, #tpu.memory_space<hbm>>) dst(%arg4 : memref<33048xf32, #tpu.memory_space<vmem>>)
    %add3A_489 = arith.constant 991440 : i32
    %add3A_490 = arith.addi %mul3A_2, %add3A_489 : i32
    %dma_start3A_491 = tpu.memref_slice %arg3[%add3A_490] : memref<33841152xf32, #tpu.memory_space<hbm>> -> memref<33048xf32, #tpu.memory_space<hbm>>
    %dma_start3A_492 = tpu.memref_slice %arg3[%add3A_490] : memref<33841152xf32, #tpu.memory_space<hbm>> -> memref<33048xf32, #tpu.memory_space<hbm>>
    tpu.enqueue_dma source(%arg4 : memref<33048xf32, #tpu.memory_space<vmem>>) target(%dma_start3A_492 : memref<33048xf32, #tpu.memory_space<hbm>>) target_semaphore(%arg10 : memref<!tpu.dma_semaphore, #tpu.memory_space<semaphore_mem>>)
    %add3A_493 = arith.constant 1024488 : i32
    %add3A_494 = arith.addi %mul3A_2, %add3A_493 : i32
    %dma_wait3A_495 = tpu.memref_slice %arg2[%add3A_494] : memref<33841152xf32, #tpu.memory_space<hbm>> -> memref<33048xf32, #tpu.memory_space<hbm>>
    %dma_wait3A_496 = tpu.memref_slice %arg2[%add3A_494] : memref<33841152xf32, #tpu.memory_space<hbm>> -> memref<33048xf32, #tpu.memory_space<hbm>>
    tpu.wait_dma2 semaphore(%arg8 : memref<!tpu.dma_semaphore, #tpu.memory_space<semaphore_mem>>) src(%dma_wait3A_496 : memref<33048xf32, #tpu.memory_space<hbm>>) dst(%arg5 : memref<33048xf32, #tpu.memory_space<vmem>>)
    %add3A_497 = arith.constant 1024488 : i32
    %add3A_498 = arith.addi %mul3A_2, %add3A_497 : i32
    %dma_start3A_499 = tpu.memref_slice %arg3[%add3A_498] : memref<33841152xf32, #tpu.memory_space<hbm>> -> memref<33048xf32, #tpu.memory_space<hbm>>
    %dma_start3A_500 = tpu.memref_slice %arg3[%add3A_498] : memref<33841152xf32, #tpu.memory_space<hbm>> -> memref<33048xf32, #tpu.memory_space<hbm>>
    tpu.enqueue_dma source(%arg5 : memref<33048xf32, #tpu.memory_space<vmem>>) target(%dma_start3A_500 : memref<33048xf32, #tpu.memory_space<hbm>>) target_semaphore(%arg11 : memref<!tpu.dma_semaphore, #tpu.memory_space<semaphore_mem>>)
    %add3A_501 = arith.constant 958392 : i32
    %add3A_502 = arith.addi %mul3A_2, %add3A_501 : i32
    %dma_wait3A_503 = tpu.memref_slice %arg3[%add3A_502] : memref<33841152xf32, #tpu.memory_space<hbm>> -> memref<33048xf32, #tpu.memory_space<hbm>>
    %dma_wait3A_504 = tpu.memref_slice %arg3[%add3A_502] : memref<33841152xf32, #tpu.memory_space<hbm>> -> memref<33048xf32, #tpu.memory_space<hbm>>
    tpu.wait_dma2 semaphore(%arg12 : memref<!tpu.dma_semaphore, #tpu.memory_space<semaphore_mem>>) src(%arg6 : memref<33048xf32, #tpu.memory_space<vmem>>) dst(%dma_wait3A_504 : memref<33048xf32, #tpu.memory_space<hbm>>)
    %add3A_505 = arith.constant 991440 : i32
    %add3A_506 = arith.addi %mul3A_2, %add3A_505 : i32
    %dma_wait3A_507 = tpu.memref_slice %arg3[%add3A_506] : memref<33841152xf32, #tpu.memory_space<hbm>> -> memref<33048xf32, #tpu.memory_space<hbm>>
    %dma_wait3A_508 = tpu.memref_slice %arg3[%add3A_506] : memref<33841152xf32, #tpu.memory_space<hbm>> -> memref<33048xf32, #tpu.memory_space<hbm>>
    tpu.wait_dma2 semaphore(%arg10 : memref<!tpu.dma_semaphore, #tpu.memory_space<semaphore_mem>>) src(%arg4 : memref<33048xf32, #tpu.memory_space<vmem>>) dst(%dma_wait3A_508 : memref<33048xf32, #tpu.memory_space<hbm>>)
    %add3A_509 = arith.constant 1024488 : i32
    %add3A_510 = arith.addi %mul3A_2, %add3A_509 : i32
    %dma_wait3A_511 = tpu.memref_slice %arg3[%add3A_510] : memref<33841152xf32, #tpu.memory_space<hbm>> -> memref<33048xf32, #tpu.memory_space<hbm>>
    %dma_wait3A_512 = tpu.memref_slice %arg3[%add3A_510] : memref<33841152xf32, #tpu.memory_space<hbm>> -> memref<33048xf32, #tpu.memory_space<hbm>>
    tpu.wait_dma2 semaphore(%arg11 : memref<!tpu.dma_semaphore, #tpu.memory_space<semaphore_mem>>) src(%arg5 : memref<33048xf32, #tpu.memory_space<vmem>>) dst(%dma_wait3A_512 : memref<33048xf32, #tpu.memory_space<hbm>>)
    return
  }
}

</mosaic_0001>

<sc_bundles>
// kernel: kernel.3.cloned.1.call-start
scs
__scs_entry_jumppad:
0x0: {  	(pc) =	sbr.rel $0x88, $3  }
0x1: {  	(tag) =	ssettag $0x0;
	lr =	simm.s32 $0x1  }
0x2: {  	[smem:$0x3FA0] =	sst lr;
	_ =	strace $0xD0000000  }
0x3: {  	_ = 	snop  }
0x4: {  	_ = 	snop  }
0x5: {  	_ = 	snop  }
0x6: {  	_ = 	snop  }
0x7: {  	_ = 	snop  }
__scs_overlays_trampoline_lowered:
0x8: {  	[smem:$0x3FAF] =	sst s0  }
0x9: {  	[smem:$0x3FB0] =	sst s1  }
0xa: {  	[smem:$0x3FB1] =	sst s2  }
0xb: {  	[smem:$0x3FB2] =	sst s3  }
0xc: {  	[smem:$0x3FB3] =	sst s4  }
0xd: {  	[smem:$0x3FB4] =	sst s5  }
0xe: {  	[smem:$0x3FB5] =	sst s6  }
0xf: {  	[smem:$0x3FB6] =	sst s7  }
0x10: {  	[smem:$0x3FB7] =	sst s8  }
0x11: {  	[smem:$0x3FB8] =	sst s9;
	s0 =	simm.s32 @!p0 $0x0  }
0x12: {  	s1 =	sld [smem:$0x3F9E];
	s0 =	simm.s32 @p0 $0x1  }
0x13: {  	[smem:$0x3FB9] =	sst s0;
	s0 =	simm.s32 @!p1 $0x0  }
0x14: {  	s2 =	sld [smem:$0x3F9D];
	s0 =	simm.s32 @p1 $0x1  }
0x15: {  	[smem:$0x3FBA] =	sst s0;
	s0 =	simm.s32 @!p2 $0x0  }
0x16: {  	s3 =	sld [smem:$0x3FDB];
	s0 =	simm.s32 @p2 $0x1  }
0x17: {  	s4 =	simm.s32 $0x1BF5;
	[smem:$0x3FBC] =	sst s0  }
0x18: {  	s0 =	sld [smem:$0x3F9F];
	_ =	swait.ge [sflag:s4], $0x0  }
0x19: {  	s7 =	sld [smem:$0x3FA0]  }
0x1a: {  	s8 =	sadd.s32 $0xFFFFE003, lr  }
0x1b: {  	s9 =	sadd.s32 $0xFFFFFEF7, lr;
	s5 =	simm.s32 $0xFFFFFFFF;
	p2 =	slt.u32 s8, $0xFFFFF086  }
0x1c: {  	p1 =	slt.u32 s9, $0xF7A;
	s5 =	simm.s32 @!p2 $0x0  }
0x1d: {  	s5 =	simm.s32 @p1 $0x1;
	p0 =	seq.s32 s7, s2  }
0x1e: {  	s7 =	smul.u32 @!p0 $0xF7A, s2;
	p2 =	seq.s32 @!p0 s5, $0x0  }
0x1f: {  	s9 =	smul.u32 $0xF7A, s1;
	s8 =	simm.s32 @!p0 $0x1BF5;
	p2 =	por !p2, p0  }
0x20: {  	[sflag:s8] =	ssyncset.s32 @!p0 $0xFFFFF086;
	s6 =	sadd.s32 @!p0 s3, s7;
	s7 =	simm.s32 @!p0 $0x108  }
0x21: {  	s3 =	sadd.s32 s3, s9;
	s6 =	sadd.s32 @!p0 $0x88, s6;
	s7 =	simm.s32 @p2 $0x1082  }
0x22: {  	[simem:s7], [sflag:s8] =	dma.local @!p0 [hbm:s6], $0xF7A  }
0x23: {  	s9 =	sor.u32 $0xD0000000, s2;
	s6 =	simm.s32 $0x108;
	_ =	swait.ge @!p0 [sflag:s8], $0x0  }
0x24: {  	s3 =	sadd.s32 $0x88, s3;
	s6 =	simm.s32 @!p1 $0x1082;
	[sflag:s4] =	ssyncset.s32 $0xFFFFF086  }
0x25: {  	[simem:s6], [sflag:s4] =	dma.local [hbm:s3], $0xF7A  }
0x26: {  	[smem:$0x3FA0] =	sst s1;
	(tag) =	ssettag s2;
	_ =	strace s9  }
0x27: {  	s1 =	sld [smem:$0x3FB0]  }
0x28: {  	s2 =	sld [smem:$0x3FB1]  }
0x29: {  	s4 =	sld [smem:$0x3FB3]  }
0x2a: {  	p0 =	seq.s32 s5, $0x0;
	s5 =	sld [smem:$0x3FB4]  }
0x2b: {  	s6 =	sld [smem:$0x3FB5]  }
0x2c: {  	s7 =	sld [smem:$0x3FB6]  }
0x2d: {  	s3 =	simm.s32 $0x108;
	s8 =	sld [smem:$0x3FB7]  }
0x2e: {  	s3 =	simm.s32 @!p0 $0x1082;
	s9 =	sld [smem:$0x3FB8]  }
0x2f: {  	lr =	sadd.s32 s0, s3;
	s0 =	sld [smem:$0x3FAF]  }
0x30: {  	s3 =	sld [smem:$0x3FB2]  }
0x31: {  	[smem:$0x3FBB] =	sst s10  }
0x32: {  	s10 =	sld [smem:$0x3FB9];
	_ =	sdelay $0x3  }
0x33: {  	p0 =	seq.s32 s10, $0x1;
	s10 =	sld [smem:$0x3FBB];
	_ =	sdelay $0x3  }
0x34: {  	[smem:$0x3FBB] =	sst s10  }
0x35: {  	s10 =	sld [smem:$0x3FBA];
	_ =	sdelay $0x3  }
0x36: {  	p1 =	seq.s32 s10, $0x1;
	s10 =	sld [smem:$0x3FBB];
	_ =	sdelay $0x3  }
0x37: {  	[smem:$0x3FBB] =	sst s10  }
0x38: {  	s10 =	sld [smem:$0x3FBC]  }
0x39: {  	_ = 	snop;
	(pc) =	sbr.ind lr, $3  }
0x3a: {  	_ = 	snop  }
0x3b: {  	_ = 	snop  }
0x3c: {  	p2 =	seq.s32 s10, $0x1;
	s10 =	sld [smem:$0x3FBB]  }
0x3d: {  	_ =	shalt  }
0x3e: {  	_ =	shalt  }
0x3f: {  	_ =	shalt  }
0x40: {  	_ =	shalt  }
0x41: {  	_ =	shalt  }
0x42: {  	_ =	shalt  }
0x43: {  	_ =	shalt  }
0x44: {  	_ =	shalt  }
0x45: {  	_ =	shalt  }
0x46: {  	_ =	shalt  }
0x47: {  	_ =	shalt  }
0x48: {  	_ =	shalt  }
0x49: {  	_ =	shalt  }
0x4a: {  	_ =	shalt  }
0x4b: {  	_ =	shalt  }
0x4c: {  	_ =	shalt  }
0x4d: {  	_ =	shalt  }
0x4e: {  	_ =	shalt  }
0x4f: {  	_ =	shalt  }
0x50: {  	_ =	shalt  }
0x51: {  	_ =	shalt  }
0x52: {  	_ =	shalt  }
0x53: {  	_ =	shalt  }
0x54: {  	_ =	shalt  }
0x55: {  	_ =	shalt  }
0x56: {  	_ =	shalt  }
0x57: {  	_ =	shalt  }
0x58: {  	_ =	shalt  }
0x59: {  	_ =	shalt  }
0x5a: {  	_ =	shalt  }
0x5b: {  	_ =	shalt  }
0x5c: {  	_ =	shalt  }
0x5d: {  	_ =	shalt  }
0x5e: {  	_ =	shalt  }
0x5f: {  	_ =	shalt  }
0x60: {  	_ =	shalt  }
0x61: {  	_ =	shalt  }
0x62: {  	_ =	shalt  }
0x63: {  	_ =	shalt  }
0x64: {  	_ =	shalt  }
0x65: {  	_ =	shalt  }
0x66: {  	_ =	shalt  }
0x67: {  	_ =	shalt  }
0x68: {  	_ =	shalt  }
0x69: {  	_ =	shalt  }
0x6a: {  	_ =	shalt  }
0x6b: {  	_ =	shalt  }
0x6c: {  	_ =	shalt  }
0x6d: {  	_ =	shalt  }
0x6e: {  	_ =	shalt  }
0x6f: {  	_ =	shalt  }
0x70: {  	_ =	shalt  }
0x71: {  	_ =	shalt  }
0x72: {  	_ =	shalt  }
0x73: {  	_ =	shalt  }
0x74: {  	_ =	shalt  }
0x75: {  	_ =	shalt  }
0x76: {  	_ =	shalt  }
0x77: {  	_ =	shalt  }
0x78: {  	_ =	shalt  }
0x79: {  	_ =	shalt  }
0x7a: {  	_ =	shalt  }
0x7b: {  	_ =	shalt  }
0x7c: {  	_ =	shalt  }
0x7d: {  	_ =	shalt  }
0x7e: {  	_ =	shalt  }
0x7f: {  	_ =	shalt  }
0x80: {  	_ =	shalt  }
0x81: {  	_ =	shalt  }
0x82: {  	_ =	shalt  }
0x83: {  	_ =	shalt  }
0x84: {  	_ =	shalt  }
0x85: {  	_ =	shalt  }
0x86: {  	_ =	shalt  }
0x87: {  	_ =	shalt  }
.Lfunc_end0:
.L_simem_size_0:
called_computation.1_lowered:
.L_overlay_start_0:
0x88: {  	s2 =	sld [smem:$0x3FD9]  }
0x89: {  	s3 =	sld [smem:$0x3FFE];
	_ =	sdelay $0x1  }
0x8a: {  	s1 =	srdreg.scid  }
0x8b: {  	s0 =	sand.u32 $0x1, s1  }
0x8c: {  	s17 =	sshll.u32 s0, $0xA;
	s2 =	sadd.s32 s3, s2  }
0x8d: {  	s2 =	sadd.s32 s2, s17  }
0x8e: {  	[smem:$0x3FC7] =	sst s2  }
0x8f: {  	_ = 	snop  }
0x90: {  	s2 =	sld [smem:$0x3FD0];
	(tm) =	ssettm $0x1  }
0x91: {  	s18 =	sld [smem:$0x3FFB];
	_ =	sdelay $0x3  }
0x92: {  	_ =	strace s18  }
0x93: {  	s3 =	sld [smem:$0x3FFC];
	_ =	sdelay $0x3  }
0x94: {  	_ =	strace s3  }
0x95: {  	s3 =	sld [smem:$0x3FFD];
	_ =	sdelay $0x3  }
0x96: {  	_ =	strace s3  }
0x97: {  	_ =	strace $0x8FFFFFFF  }
0x98: {  	s19 =	sld [smem:$0x3FDB];
	_ =	sdelay $0x1  }
0x99: {  	s4 =	simm.s32 $_scs_section_size  }
0x9a: {  	s5 =	simm.s32 $_size__tile_overlayer_lowered;
	s6 =	simm.s32 $_tile_overlayer_lowered  }
0x9b: {  	s22 =	simm.s32 $0x1BFF;
	s21 =	sshll.u32 s6, $0x1;
	s3 =	sadd.s32 s4, s19  }
0x9c: {  	s7 =	simm.s32 $0x0;
	s20 =	sshll.u32 s5, $0x1;
	s5 =	sadd.s32 s21, s3  }
0x9d: {  	[timem:s7], [sflag:s22] =	dma.local [hbm:s5], s20  }
0x9e: {  	_ =	swait.ge [sflag:s22], s20  }
0x9f: {  	s4 =	ssub.s32 $0x0, s20;
	[sflag:s22] =	ssyncset.done $0x0  }
0xa0: {  	[sflag:s22] =	ssyncadd.s32 s4;
	_ =	sdelay $0x1  }
0xa1: {  	s23 =	simm.s32 $0x1B8B  }
0xa2: {  	_ =	swait.ge [sflag:s23], $0x1  }
0xa3: {  	[sflag:s23] =	ssyncset.done $0x0  }
0xa4: {  	s25 =	simm.s32 $0x1B8E;
	s24 =	sld [smem:$0x3FFE];
	[sflag:s23] =	ssyncadd.s32 $0xFFFFFFFF  }
0xa5: {  	s26 =	simm.s32 $execute0_lowered;
	[smem:$0x3FD2] =	sst s25  }
0xa6: {  	s5 =	sshll.u32 s26, $0x1;
	_ =	strace $0x80000049;
	[dreg:$0x1] =	wrdreg $0xFFFFFFFF  }
0xa7: {  	s28 =	simm.s32 $_size_execute0_lowered;
	s3 =	sadd.s32 s3, s5;
	[dreg:$0x0] =	wrdreg $0x0  }
0xa8: {  	s5 =	sshll.u32 s28, $0x1;
	[dreg:$0x2] =	wrdreg s3  }
0xa9: {  	[dreg:$0x3] =	wrdreg s5  }
0xaa: {  	[dreg:$0x4] =	wrdreg $0xC0  }
0xab: {  	_ =	task [dreg:s7], $0x5FFFF  }
0xac: {  	[dreg:$0x1] =	wrdreg $0xFFFFFFFF  }
0xad: {  	[dreg:$0x0] =	wrdreg $0x60  }
0xae: {  	[dreg:$0x2] =	wrdreg s2  }
0xaf: {  	[dreg:$0x3] =	wrdreg s24  }
0xb0: {  	[dreg:$0x4] =	wrdreg $0x9  }
0xb1: {  	_ =	task.clear_ibuf [dreg:s7], $0x5FFFF;
	_ =	strace $0x90000049  }
0xb2: {  	s29 =	simm.s32 $0x9;
	_ =	strace $0x8000004B  }
0xb3: {  	_ =	swait.ge [sflag:s29], $0x1  }
0xb4: {  	[sflag:s29] =	ssyncadd.s32 $0xFFFFFFFF  }
0xb5: {  	_ =	strace $0x9000004B  }
0xb6: {  	_ =	sfence  }
0xb7: {  	s30 =	sld [smem:$0x0];
	_ =	sdelay $0x2  }
0xb8: {  	s31 =	sshll.u32 s1, $0xD;
	s1 =	sshrl.u32 s1, $0x2  }
0xb9: {  	s3 =	sand.u32 $0x4000, s31;
	s1 =	sadd.s32 s1, s30  }
0xba: {  	s0 =	sor.u32 s3, s0;
	s1 =	sshll.u32 s1, $0x11  }
0xbb: {  	s0 =	sor.u32 s1, s0  }
0xbc: {  	s0 =	sadd.s32 $0x8F2B, s0  }
0xbd: {  	[sflag:s0] =	ssyncadd.remote.s32 $0x1  }
0xbe: {  	_ =	sfence.sel $0xFFFF  }
0xbf: {  	[dreg:$0x0] =	wrdreg $0xFFFFFFFF;
	(pc) =	sbr.abs _section_cstart, $3  }
0xc0: {  	[dreg:$0x1] =	wrdreg $0xFFFFFFFF  }
0xc1: {  	_ =	task.clear_ibuf [dreg:s7], $0x2FFFF;
	_ =	strace $0x9FFFFFFF  }
0xc2: {  	(tm) =	ssettm $0x7FFFFFFF  }
0xc3: {  	_ =	shalt  }
tec
execute0_lowered:
.L_overlay_start_1:
0x0: {  	(tag) =	ssettag $0x1  }
0x1: {  	s0 =	srdreg.scid;
	s2 =	stileid.u32  }
0x2: {  	s6 =	sand.u32 $0x1, s0;
	s11 =	sshll.u32 s2, $0x1  }
0x3: {  	s1 =	rddreg [dreg:$0x0];
	s0 =	sor.u32 s6, s11  }
0x4: {  	s3 =	rddreg [dreg:$0x1];
	s2 =	simm.s32 $0x0;
	s4 =	smul.u32 $0x102300, s0  }
0x5: {  	[smem:$0x7FF] =	sst s2  }
0x6: {  	s3 =	sadd.s32 $0x800, s3;
	_ =	strace $0x8000004A;
	s5 =	sshrl.u32 s4, $0x3  }
0x7: {  	s0 =	sadd.s32 $0x8118, s4;
	s9 =	sadd.s32 $0x18348, s4;
	s7 =	sadd.s32 s1, s5  }
0x8: {  	s0 =	sshrl.u32 s0, $0x3;
	s14 =	sadd.s32 s3, s5;
	[dreg:$0x3] =	wrdreg s7  }
0x9: {  	s8 =	sadd.s32 $0x2046, s5;
	s12 =	sadd.s32 s1, s0;
	[dreg:$0x6] =	wrdreg s14  }
0xa: {  	s9 =	sshrl.u32 s9, $0x3;
	s13 =	sadd.s32 s1, s8;
	[dreg:$0x4] =	wrdreg s12  }
0xb: {  	s15 =	sadd.s32 s1, s9;
	[dreg:$0x5] =	wrdreg s13  }
0xc: {  	s16 =	sadd.s32 $0x408C, s5;
	s0 =	sadd.s32 s3, s0;
	[dreg:$0x7] =	wrdreg s15  }
0xd: {  	s10 =	sadd.s32 $0x28578, s4;
	s17 =	sadd.s32 s1, s16;
	[dreg:$0x8] =	wrdreg s0  }
0xe: {  	s19 =	sshrl.u32 s10, $0x3;
	s18 =	sadd.s32 s3, s8;
	[dreg:$0x9] =	wrdreg s17  }
0xf: {  	s20 =	sadd.s32 s1, s19;
	[dreg:$0xa] =	wrdreg s18  }
0x10: {  	s22 =	sadd.s32 $0x60D2, s5;
	s21 =	sadd.s32 s3, s9;
	[dreg:$0xb] =	wrdreg s20  }
0x11: {  	s24 =	sadd.s32 $0x387A8, s4;
	s23 =	sadd.s32 s1, s22;
	[dreg:$0xc] =	wrdreg s21  }
0x12: {  	s26 =	sshrl.u32 s24, $0x3;
	s25 =	sadd.s32 s3, s16;
	[dreg:$0xd] =	wrdreg s23  }
0x13: {  	p0 =	por $0x0, $0x0;
	s10 =	sadd.s32 s1, s26;
	[dreg:$0xe] =	wrdreg s25  }
0x14: {  	s6 =	ssub.s32 $0x2, s6;
	s11 =	sadd.s32 s3, s19;
	[dreg:$0xf] =	wrdreg s10  }
0x15: {  	s14 =	sadd.s32 $0x489D8, s4;
	s19 =	sadd.s32 $0xA15E, s5;
	[dreg:$0x10] =	wrdreg s11  }
0x16: {  	s12 =	sadd.s32 $0x8118, s5;
	s15 =	sadd.s32 s3, s22;
	s0 =	rddreg [dreg:$0x3]  }
0x17: {  	s16 =	sshrl.u32 s14, $0x3;
	s18 =	sadd.s32 s3, s26;
	[dreg:$0x12] =	wrdreg s15  }
0x18: {  	s20 =	sadd.s32 s1, s19;
	s21 =	sadd.s32 $0x58C08, s4;
	[dreg:$0x14] =	wrdreg s18  }
0x19: {  	s26 =	sadd.s32 $0xC1A4, s5;
	s13 =	sadd.s32 s1, s12;
	[dreg:$0x15] =	wrdreg s20  }
0x1a: {  	s10 =	sadd.s32 $0xD9D88, s4;
	s17 =	sadd.s32 s1, s16;
	[dreg:$0x11] =	wrdreg s13  }
0x1b: {  	s22 =	sadd.s32 s3, s12;
	s23 =	sshrl.u32 s21, $0x3;
	[dreg:$0x13] =	wrdreg s17  }
0x1c: {  	s25 =	sadd.s32 s3, s16;
	s11 =	sadd.s32 s1, s26;
	[dreg:$0x16] =	wrdreg s22  }
0x1d: {  	s12 =	sadd.s32 $0x68E38, s4;
	s20 =	sadd.s32 s3, s26;
	[dreg:$0x18] =	wrdreg s25  }
0x1e: {  	s26 =	sadd.s32 $0x89298, s4;
	s7 =	sshrl.u32 s10, $0x3;
	[dreg:$0x19] =	wrdreg s11  }
0x1f: {  	s10 =	simm.s32 $0x6;
	s24 =	sadd.s32 s1, s23;
	[dreg:$0x1e] =	wrdreg s20  }
0x20: {  	s13 =	sadd.s32 s3, s19;
	s14 =	sshrl.u32 s12, $0x3;
	[dreg:$0x17] =	wrdreg s24  }
0x21: {  	s16 =	sadd.s32 s3, s23;
	s17 =	sadd.s32 $0xE1EA, s5;
	[dreg:$0x1a] =	wrdreg s13  }
0x22: {  	s19 =	sadd.s32 $0x79068, s4;
	s15 =	sadd.s32 s1, s14;
	[dreg:$0x1c] =	wrdreg s16  }
0x23: {  	s12 =	sshrl.u32 s26, $0x3;
	s18 =	sadd.s32 s1, s17;
	[dreg:$0x1b] =	wrdreg s15  }
0x24: {  	s21 =	sshrl.u32 s19, $0x3;
	s23 =	sadd.s32 s3, s14;
	[dreg:$0x1d] =	wrdreg s18  }
0x25: {  	s24 =	sadd.s32 $0x10230, s5;
	s11 =	sadd.s32 s3, s17;
	[smem:$0x7EF] =	sst s23  }
0x26: {  	s13 =	sadd.s32 s1, s12;
	s17 =	sadd.s32 $0x994C8, s4;
	[smem:$0x7F1] =	sst s11  }
0x27: {  	s22 =	sadd.s32 s1, s21;
	s25 =	sadd.s32 s1, s24;
	[smem:$0x7F2] =	sst s13  }
0x28: {  	s14 =	sadd.s32 s3, s21;
	s15 =	sadd.s32 $0x12276, s5;
	s18 =	sadd.s32 s3, s24  }
0x29: {  	s19 =	sshrl.u32 s17, $0x3;
	s21 =	sadd.s32 s3, s12;
	[dreg:$0x1f] =	wrdreg s22  }
0x2a: {  	s24 =	sadd.s32 $0xA96F8, s4;
	s13 =	sadd.s32 $0x16302, s5;
	[smem:$0x7F0] =	sst s25  }
0x2b: {  	s17 =	sadd.s32 $0xB9928, s4;
	[smem:$0x7F3] =	sst s14;
	s16 =	sadd.s32 s1, s15  }
0x2c: {  	[smem:$0x7F5] =	sst s18;
	s20 =	sadd.s32 s1, s19;
	s22 =	sadd.s32 $0x142BC, s5  }
0x2d: {  	[smem:$0x7F7] =	sst s21;
	s25 =	sadd.s32 s3, s15;
	s26 =	sshrl.u32 s24, $0x3  }
0x2e: {  	s12 =	sadd.s32 s3, s19;
	s14 =	sshrl.u32 s6, $0x1;
	[smem:$0x7F4] =	sst s16  }
0x2f: {  	s15 =	sadd.s32 s1, s13;
	s18 =	sshrl.u32 s17, $0x3;
	[smem:$0x7F6] =	sst s20  }
0x30: {  	s19 =	sadd.s32 $0x18348, s5;
	s28 =	sadd.s32 s3, s13;
	[smem:$0x7F9] =	sst s25  }
0x31: {  	s13 =	sadd.s32 $0xE9FB8, s4;
	s23 =	sadd.s32 s1, s22;
	[smem:$0x7FB] =	sst s12  }
0x32: {  	s11 =	sadd.s32 s1, s26;
	[smem:$0x7FC] =	sst s15;
	s16 =	sadd.s32 s3, s22  }
0x33: {  	s6 =	ssub.s32 s6, s14;
	s31 =	sadd.s32 s1, s18;
	s20 =	sadd.s32 $0xC9B58, s4  }
0x34: {  	s30 =	sadd.s32 s3, s26;
	s29 =	sadd.s32 s1, s19;
	s25 =	sadd.s32 s3, s18  }
0x35: {  	s22 =	sadd.s32 s1, s7;
	s12 =	sadd.s32 $0x1C3D4, s5;
	[smem:$0x7F8] =	sst s23  }
0x36: {  	s14 =	sshrl.u32 s13, $0x3;
	s4 =	sadd.s32 $0xFA1E8, s4;
	[smem:$0x7FA] =	sst s11  }
0x37: {  	[smem:$0x7FD] =	sst s16;
	s21 =	sshrl.u32 s20, $0x3;
	s11 =	sadd.s32 $0x1A38E, s5  }
0x38: {  	s23 =	sadd.s32 s3, s19;
	s20 =	sadd.s32 s1, s12;
	s17 =	sadd.s32 s1, s14  }
0x39: {  	s5 =	sadd.s32 $0x1E41A, s5;
	s16 =	sadd.s32 s3, s7;
	s4 =	sshrl.u32 s4, $0x3  }
0x3a: {  	s13 =	sadd.s32 s3, s12;
	s8 =	sadd.s32 s3, s14;
	s19 =	smax.u32 s6, $0x1  }
0x3b: {  	s12 =	simm.s32 $0x10300;
	s14 =	simm.s32 $0x1;
	p1 =	sne.s32 s19, $0x1  }
.Ltmp0:
0x3c: {  	s6 =	simm.s32 $0x4;
	s26 =	sadd.s32 s1, s21;
	(pc) =	sbr.rel @!p1 .LBB2_3-.Ltmp0, $4  }
0x3d: {  	s24 =	sadd.s32 s1, s11;
	s21 =	sadd.s32 s3, s21;
	s18 =	sadd.s32 s3, s11  }
0x3e: {  	s15 =	sadd.s32 s1, s5;
	s9 =	sadd.s32 s1, s4;
	s7 =	sadd.s32 s3, s5  }
0x3f: {  	s3 =	sadd.s32 s3, s4;
	s5 =	simm.s32 $0x8180;
	s1 =	sadd.s32 $0xFFFFFFFF, s19  }
0x40: {  	s11 =	simm.s32 $0x2;
	s4 =	simm.s32 $0x5;
	s19 =	simm.s32 $0x3  }
0x41: {  	[smem:$0x7EE] =	sst s1  }
0x42: {  	[tilespmem:s2], [sflag:$0x1] =	stream.linear.gather [hbm4b:s0+s2], $0x8118, $0x38;
	[tilespmem:$0x18480] =	vst v63  }
0x43: {  	s1 =	rddreg [dreg:$0x4]  }
0x44: {  	[tilespmem:s5], [sflag:$0x2] =	stream.linear.gather [hbm4b:s1+s2], $0x8118, $0x38;
	[tilespmem:$0x18480] =	vst v63  }
0x45: {  	s0 =	rddreg [dreg:$0x5]  }
0x46: {  	[tilespmem:s12], [sflag:$0x3] =	stream.linear.gather [hbm4b:s0+s2], $0x8118, $0x38;
	[tilespmem:$0x18480] =	vst v63  }
0x47: {  	_ =	swait.ge [sflag:s14], $0x8118  }
0x48: {  	[sflag:s14] =	ssyncset.done $0x0  }
0x49: {  	s1 =	rddreg [dreg:$0x6];
	[sflag:s14] =	ssyncadd.s32 $0xFFFF7EE8  }
0x4a: {  	[hbm4b:s1+s2] =	stream.linear.scatter [tilespmem:s2], [sflag:$0x4], $0x8118, $0x38;
	[tilespmem:$0x18480] =	vst v63  }
0x4b: {  	_ =	swait.ge [sflag:s6], $0x8118  }
0x4c: {  	[sflag:s6] =	ssyncset.done $0x0  }
0x4d: {  	s1 =	rddreg [dreg:$0x7];
	[sflag:s6] =	ssyncadd.s32 $0xFFFF7EE8  }
0x4e: {  	[tilespmem:s2], [sflag:$0x1] =	stream.linear.gather [hbm4b:s1+s2], $0x8118, $0x38;
	[tilespmem:$0x18480] =	vst v63  }
0x4f: {  	_ =	swait.ge [sflag:s11], $0x8118  }
0x50: {  	[sflag:s11] =	ssyncset.done $0x0  }
0x51: {  	s1 =	rddreg [dreg:$0x8];
	[sflag:s11] =	ssyncadd.s32 $0xFFFF7EE8  }
0x52: {  	[hbm4b:s1+s2] =	stream.linear.scatter [tilespmem:s5], [sflag:$0x5], $0x8118, $0x38;
	[tilespmem:$0x18480] =	vst v63  }
0x53: {  	_ =	swait.ge [sflag:s4], $0x8118  }
0x54: {  	[sflag:s4] =	ssyncset.done $0x0  }
0x55: {  	s1 =	rddreg [dreg:$0x9];
	[sflag:s4] =	ssyncadd.s32 $0xFFFF7EE8  }
0x56: {  	[tilespmem:s5], [sflag:$0x2] =	stream.linear.gather [hbm4b:s1+s2], $0x8118, $0x38;
	[tilespmem:$0x18480] =	vst v63  }
0x57: {  	_ =	swait.ge [sflag:s19], $0x8118  }
0x58: {  	[sflag:s19] =	ssyncset.done $0x0  }
0x59: {  	s1 =	rddreg [dreg:$0xa];
	[sflag:s19] =	ssyncadd.s32 $0xFFFF7EE8  }
0x5a: {  	[hbm4b:s1+s2] =	stream.linear.scatter [tilespmem:s12], [sflag:$0x6], $0x8118, $0x38;
	[tilespmem:$0x18480] =	vst v63  }
0x5b: {  	_ =	swait.ge [sflag:s10], $0x8118  }
0x5c: {  	[sflag:s10] =	ssyncset.done $0x0  }
0x5d: {  	s1 =	rddreg [dreg:$0xb];
	[sflag:s10] =	ssyncadd.s32 $0xFFFF7EE8  }
0x5e: {  	[tilespmem:s12], [sflag:$0x3] =	stream.linear.gather [hbm4b:s1+s2], $0x8118, $0x38;
	[tilespmem:$0x18480] =	vst v63  }
0x5f: {  	_ =	swait.ge [sflag:s14], $0x8118  }
0x60: {  	[sflag:s14] =	ssyncset.done $0x0  }
0x61: {  	s1 =	rddreg [dreg:$0xc];
	[sflag:s14] =	ssyncadd.s32 $0xFFFF7EE8  }
0x62: {  	[hbm4b:s1+s2] =	stream.linear.scatter [tilespmem:s2], [sflag:$0x4], $0x8118, $0x38;
	[tilespmem:$0x18480] =	vst v63  }
0x63: {  	_ =	swait.ge [sflag:s6], $0x8118  }
0x64: {  	[sflag:s6] =	ssyncset.done $0x0  }
0x65: {  	s1 =	rddreg [dreg:$0xd];
	[sflag:s6] =	ssyncadd.s32 $0xFFFF7EE8  }
0x66: {  	[tilespmem:s2], [sflag:$0x1] =	stream.linear.gather [hbm4b:s1+s2], $0x8118, $0x38;
	[tilespmem:$0x18480] =	vst v63  }
0x67: {  	_ =	swait.ge [sflag:s11], $0x8118  }
0x68: {  	[sflag:s11] =	ssyncset.done $0x0  }
0x69: {  	s1 =	rddreg [dreg:$0xe];
	[sflag:s11] =	ssyncadd.s32 $0xFFFF7EE8  }
0x6a: {  	[hbm4b:s1+s2] =	stream.linear.scatter [tilespmem:s5], [sflag:$0x5], $0x8118, $0x38;
	[tilespmem:$0x18480] =	vst v63  }
0x6b: {  	_ =	swait.ge [sflag:s4], $0x8118  }
0x6c: {  	[sflag:s4] =	ssyncset.done $0x0  }
0x6d: {  	s1 =	rddreg [dreg:$0xf];
	[sflag:s4] =	ssyncadd.s32 $0xFFFF7EE8  }
0x6e: {  	[tilespmem:s5], [sflag:$0x2] =	stream.linear.gather [hbm4b:s1+s2], $0x8118, $0x38;
	[tilespmem:$0x18480] =	vst v63  }
0x6f: {  	_ =	swait.ge [sflag:s19], $0x8118  }
0x70: {  	[sflag:s19] =	ssyncset.done $0x0  }
0x71: {  	s1 =	rddreg [dreg:$0x10];
	[sflag:s19] =	ssyncadd.s32 $0xFFFF7EE8  }
0x72: {  	[hbm4b:s1+s2] =	stream.linear.scatter [tilespmem:s12], [sflag:$0x6], $0x8118, $0x38;
	[tilespmem:$0x18480] =	vst v63  }
0x73: {  	_ =	swait.ge [sflag:s10], $0x8118  }
0x74: {  	[sflag:s10] =	ssyncset.done $0x0  }
0x75: {  	s1 =	rddreg [dreg:$0x11];
	[sflag:s10] =	ssyncadd.s32 $0xFFFF7EE8  }
0x76: {  	[tilespmem:s12], [sflag:$0x3] =	stream.linear.gather [hbm4b:s1+s2], $0x8118, $0x38;
	[tilespmem:$0x18480] =	vst v63  }
0x77: {  	_ =	swait.ge [sflag:s14], $0x8118  }
0x78: {  	[sflag:s14] =	ssyncset.done $0x0  }
0x79: {  	s1 =	rddreg [dreg:$0x12];
	[sflag:s14] =	ssyncadd.s32 $0xFFFF7EE8  }
0x7a: {  	[hbm4b:s1+s2] =	stream.linear.scatter [tilespmem:s2], [sflag:$0x4], $0x8118, $0x38;
	[tilespmem:$0x18480] =	vst v63  }
0x7b: {  	_ =	swait.ge [sflag:s6], $0x8118  }
0x7c: {  	[sflag:s6] =	ssyncset.done $0x0  }
0x7d: {  	s1 =	rddreg [dreg:$0x13];
	[sflag:s6] =	ssyncadd.s32 $0xFFFF7EE8  }
0x7e: {  	[tilespmem:s2], [sflag:$0x1] =	stream.linear.gather [hbm4b:s1+s2], $0x8118, $0x38;
	[tilespmem:$0x18480] =	vst v63  }
0x7f: {  	_ =	swait.ge [sflag:s11], $0x8118  }
0x80: {  	[sflag:s11] =	ssyncset.done $0x0  }
0x81: {  	s1 =	rddreg [dreg:$0x14];
	[sflag:s11] =	ssyncadd.s32 $0xFFFF7EE8  }
0x82: {  	[hbm4b:s1+s2] =	stream.linear.scatter [tilespmem:s5], [sflag:$0x5], $0x8118, $0x38;
	[tilespmem:$0x18480] =	vst v63  }
0x83: {  	_ =	swait.ge [sflag:s4], $0x8118  }
0x84: {  	[sflag:s4] =	ssyncset.done $0x0  }
0x85: {  	s1 =	rddreg [dreg:$0x15];
	[sflag:s4] =	ssyncadd.s32 $0xFFFF7EE8  }
0x86: {  	[tilespmem:s5], [sflag:$0x2] =	stream.linear.gather [hbm4b:s1+s2], $0x8118, $0x38;
	[tilespmem:$0x18480] =	vst v63  }
0x87: {  	_ =	swait.ge [sflag:s19], $0x8118  }
0x88: {  	[sflag:s19] =	ssyncset.done $0x0  }
0x89: {  	s1 =	rddreg [dreg:$0x16];
	[sflag:s19] =	ssyncadd.s32 $0xFFFF7EE8  }
0x8a: {  	[hbm4b:s1+s2] =	stream.linear.scatter [tilespmem:s12], [sflag:$0x6], $0x8118, $0x38;
	[tilespmem:$0x18480] =	vst v63  }
0x8b: {  	_ =	swait.ge [sflag:s10], $0x8118  }
0x8c: {  	[sflag:s10] =	ssyncset.done $0x0  }
0x8d: {  	s1 =	rddreg [dreg:$0x17];
	[sflag:s10] =	ssyncadd.s32 $0xFFFF7EE8  }
0x8e: {  	[tilespmem:s12], [sflag:$0x3] =	stream.linear.gather [hbm4b:s1+s2], $0x8118, $0x38;
	[tilespmem:$0x18480] =	vst v63  }
0x8f: {  	_ =	swait.ge [sflag:s14], $0x8118  }
0x90: {  	[sflag:s14] =	ssyncset.done $0x0  }
0x91: {  	s1 =	rddreg [dreg:$0x18];
	[sflag:s14] =	ssyncadd.s32 $0xFFFF7EE8  }
0x92: {  	[hbm4b:s1+s2] =	stream.linear.scatter [tilespmem:s2], [sflag:$0x4], $0x8118, $0x38;
	[tilespmem:$0x18480] =	vst v63  }
0x93: {  	_ =	swait.ge [sflag:s6], $0x8118  }
0x94: {  	[sflag:s6] =	ssyncset.done $0x0  }
0x95: {  	s1 =	rddreg [dreg:$0x19];
	[sflag:s6] =	ssyncadd.s32 $0xFFFF7EE8  }
0x96: {  	[tilespmem:s2], [sflag:$0x1] =	stream.linear.gather [hbm4b:s1+s2], $0x8118, $0x38;
	[tilespmem:$0x18480] =	vst v63  }
0x97: {  	_ =	swait.ge [sflag:s11], $0x8118  }
0x98: {  	[sflag:s11] =	ssyncset.done $0x0  }
0x99: {  	s1 =	rddreg [dreg:$0x1a];
	[sflag:s11] =	ssyncadd.s32 $0xFFFF7EE8  }
0x9a: {  	[hbm4b:s1+s2] =	stream.linear.scatter [tilespmem:s5], [sflag:$0x5], $0x8118, $0x38;
	[tilespmem:$0x18480] =	vst v63  }
0x9b: {  	_ =	swait.ge [sflag:s4], $0x8118  }
0x9c: {  	[sflag:s4] =	ssyncset.done $0x0  }
0x9d: {  	s1 =	rddreg [dreg:$0x1b];
	[sflag:s4] =	ssyncadd.s32 $0xFFFF7EE8  }
0x9e: {  	[tilespmem:s5], [sflag:$0x2] =	stream.linear.gather [hbm4b:s1+s2], $0x8118, $0x38;
	[tilespmem:$0x18480] =	vst v63  }
0x9f: {  	_ =	swait.ge [sflag:s19], $0x8118  }
0xa0: {  	[sflag:s19] =	ssyncset.done $0x0  }
0xa1: {  	s1 =	rddreg [dreg:$0x1c];
	[sflag:s19] =	ssyncadd.s32 $0xFFFF7EE8  }
0xa2: {  	[hbm4b:s1+s2] =	stream.linear.scatter [tilespmem:s12], [sflag:$0x6], $0x8118, $0x38;
	[tilespmem:$0x18480] =	vst v63  }
0xa3: {  	_ =	swait.ge [sflag:s10], $0x8118  }
0xa4: {  	[sflag:s10] =	ssyncset.done $0x0  }
0xa5: {  	s1 =	rddreg [dreg:$0x1d];
	[sflag:s10] =	ssyncadd.s32 $0xFFFF7EE8  }
0xa6: {  	[tilespmem:s12], [sflag:$0x3] =	stream.linear.gather [hbm4b:s1+s2], $0x8118, $0x38;
	[tilespmem:$0x18480] =	vst v63  }
0xa7: {  	_ =	swait.ge [sflag:s14], $0x8118  }
0xa8: {  	[sflag:s14] =	ssyncset.done $0x0  }
0xa9: {  	s1 =	rddreg [dreg:$0x1e];
	[sflag:s14] =	ssyncadd.s32 $0xFFFF7EE8  }
0xaa: {  	[hbm4b:s1+s2] =	stream.linear.scatter [tilespmem:s2], [sflag:$0x4], $0x8118, $0x38;
	[tilespmem:$0x18480] =	vst v63  }
0xab: {  	_ =	swait.ge [sflag:s6], $0x8118  }
0xac: {  	[sflag:s6] =	ssyncset.done $0x0  }
0xad: {  	s1 =	rddreg [dreg:$0x1f];
	[sflag:s6] =	ssyncadd.s32 $0xFFFF7EE8  }
0xae: {  	[tilespmem:s2], [sflag:$0x1] =	stream.linear.gather [hbm4b:s1+s2], $0x8118, $0x38;
	[tilespmem:$0x18480] =	vst v63  }
0xaf: {  	_ =	swait.ge [sflag:s11], $0x8118  }
0xb0: {  	s1 =	sld [smem:$0x7EF]  }
0xb1: {  	[sflag:s11] =	ssyncset.done $0x0  }
0xb2: {  	[sflag:s11] =	ssyncadd.s32 $0xFFFF7EE8  }
0xb3: {  	[hbm4b:s1+s2] =	stream.linear.scatter [tilespmem:s5], [sflag:$0x5], $0x8118, $0x38;
	[tilespmem:$0x18480] =	vst v63  }
0xb4: {  	_ =	swait.ge [sflag:s4], $0x8118  }
0xb5: {  	s1 =	sld [smem:$0x7F0]  }
0xb6: {  	[sflag:s4] =	ssyncset.done $0x0  }
0xb7: {  	[sflag:s4] =	ssyncadd.s32 $0xFFFF7EE8  }
0xb8: {  	[tilespmem:s5], [sflag:$0x2] =	stream.linear.gather [hbm4b:s1+s2], $0x8118, $0x38;
	[tilespmem:$0x18480] =	vst v63  }
0xb9: {  	_ =	swait.ge [sflag:s19], $0x8118  }
0xba: {  	s1 =	sld [smem:$0x7F1]  }
0xbb: {  	[sflag:s19] =	ssyncset.done $0x0  }
0xbc: {  	[sflag:s19] =	ssyncadd.s32 $0xFFFF7EE8  }
0xbd: {  	[hbm4b:s1+s2] =	stream.linear.scatter [tilespmem:s12], [sflag:$0x6], $0x8118, $0x38;
	[tilespmem:$0x18480] =	vst v63  }
0xbe: {  	_ =	swait.ge [sflag:s10], $0x8118  }
0xbf: {  	s1 =	sld [smem:$0x7F2]  }
0xc0: {  	[sflag:s10] =	ssyncset.done $0x0  }
0xc1: {  	[sflag:s10] =	ssyncadd.s32 $0xFFFF7EE8  }
0xc2: {  	[tilespmem:s12], [sflag:$0x3] =	stream.linear.gather [hbm4b:s1+s2], $0x8118, $0x38;
	[tilespmem:$0x18480] =	vst v63  }
0xc3: {  	_ =	swait.ge [sflag:s14], $0x8118  }
0xc4: {  	s1 =	sld [smem:$0x7F3]  }
0xc5: {  	[sflag:s14] =	ssyncset.done $0x0  }
0xc6: {  	[sflag:s14] =	ssyncadd.s32 $0xFFFF7EE8  }
0xc7: {  	[hbm4b:s1+s2] =	stream.linear.scatter [tilespmem:s2], [sflag:$0x4], $0x8118, $0x38;
	[tilespmem:$0x18480] =	vst v63  }
0xc8: {  	_ =	swait.ge [sflag:s6], $0x8118  }
0xc9: {  	s1 =	sld [smem:$0x7F4]  }
0xca: {  	[sflag:s6] =	ssyncset.done $0x0  }
0xcb: {  	[sflag:s6] =	ssyncadd.s32 $0xFFFF7EE8  }
0xcc: {  	[tilespmem:s2], [sflag:$0x1] =	stream.linear.gather [hbm4b:s1+s2], $0x8118, $0x38;
	[tilespmem:$0x18480] =	vst v63  }
0xcd: {  	_ =	swait.ge [sflag:s11], $0x8118  }
0xce: {  	s1 =	sld [smem:$0x7F5]  }
0xcf: {  	[sflag:s11] =	ssyncset.done $0x0  }
0xd0: {  	[sflag:s11] =	ssyncadd.s32 $0xFFFF7EE8  }
0xd1: {  	[hbm4b:s1+s2] =	stream.linear.scatter [tilespmem:s5], [sflag:$0x5], $0x8118, $0x38;
	[tilespmem:$0x18480] =	vst v63  }
0xd2: {  	_ =	swait.ge [sflag:s4], $0x8118  }
0xd3: {  	s1 =	sld [smem:$0x7F6]  }
0xd4: {  	[sflag:s4] =	ssyncset.done $0x0  }
0xd5: {  	[sflag:s4] =	ssyncadd.s32 $0xFFFF7EE8  }
0xd6: {  	[tilespmem:s5], [sflag:$0x2] =	stream.linear.gather [hbm4b:s1+s2], $0x8118, $0x38;
	[tilespmem:$0x18480] =	vst v63  }
0xd7: {  	_ =	swait.ge [sflag:s19], $0x8118  }
0xd8: {  	s1 =	sld [smem:$0x7F7]  }
0xd9: {  	[sflag:s19] =	ssyncset.done $0x0  }
0xda: {  	[sflag:s19] =	ssyncadd.s32 $0xFFFF7EE8  }
0xdb: {  	[hbm4b:s1+s2] =	stream.linear.scatter [tilespmem:s12], [sflag:$0x6], $0x8118, $0x38;
	[tilespmem:$0x18480] =	vst v63  }
0xdc: {  	_ =	swait.ge [sflag:s10], $0x8118  }
0xdd: {  	s1 =	sld [smem:$0x7F8]  }
0xde: {  	[sflag:s10] =	ssyncset.done $0x0  }
0xdf: {  	[sflag:s10] =	ssyncadd.s32 $0xFFFF7EE8  }
0xe0: {  	[tilespmem:s12], [sflag:$0x3] =	stream.linear.gather [hbm4b:s1+s2], $0x8118, $0x38;
	[tilespmem:$0x18480] =	vst v63  }
0xe1: {  	_ =	swait.ge [sflag:s14], $0x8118  }
0xe2: {  	s1 =	sld [smem:$0x7F9]  }
0xe3: {  	[sflag:s14] =	ssyncset.done $0x0  }
0xe4: {  	[sflag:s14] =	ssyncadd.s32 $0xFFFF7EE8  }
0xe5: {  	[hbm4b:s1+s2] =	stream.linear.scatter [tilespmem:s2], [sflag:$0x4], $0x8118, $0x38;
	[tilespmem:$0x18480] =	vst v63  }
0xe6: {  	_ =	swait.ge [sflag:s6], $0x8118  }
0xe7: {  	s1 =	sld [smem:$0x7FA]  }
0xe8: {  	[sflag:s6] =	ssyncset.done $0x0  }
0xe9: {  	[sflag:s6] =	ssyncadd.s32 $0xFFFF7EE8  }
0xea: {  	[tilespmem:s2], [sflag:$0x1] =	stream.linear.gather [hbm4b:s1+s2], $0x8118, $0x38;
	[tilespmem:$0x18480] =	vst v63  }
0xeb: {  	_ =	swait.ge [sflag:s11], $0x8118  }
0xec: {  	s1 =	sld [smem:$0x7FB]  }
0xed: {  	[sflag:s11] =	ssyncset.done $0x0  }
0xee: {  	[sflag:s11] =	ssyncadd.s32 $0xFFFF7EE8  }
0xef: {  	[hbm4b:s1+s2] =	stream.linear.scatter [tilespmem:s5], [sflag:$0x5], $0x8118, $0x38;
	[tilespmem:$0x18480] =	vst v63  }
0xf0: {  	_ =	swait.ge [sflag:s4], $0x8118  }
0xf1: {  	s1 =	sld [smem:$0x7FC]  }
0xf2: {  	[sflag:s4] =	ssyncset.done $0x0  }
0xf3: {  	[sflag:s4] =	ssyncadd.s32 $0xFFFF7EE8  }
0xf4: {  	[tilespmem:s5], [sflag:$0x2] =	stream.linear.gather [hbm4b:s1+s2], $0x8118, $0x38;
	[tilespmem:$0x18480] =	vst v63  }
0xf5: {  	_ =	swait.ge [sflag:s19], $0x8118  }
0xf6: {  	s1 =	sld [smem:$0x7FD]  }
0xf7: {  	[sflag:s19] =	ssyncset.done $0x0  }
0xf8: {  	[sflag:s19] =	ssyncadd.s32 $0xFFFF7EE8  }
0xf9: {  	[hbm4b:s1+s2] =	stream.linear.scatter [tilespmem:s12], [sflag:$0x6], $0x8118, $0x38;
	[tilespmem:$0x18480] =	vst v63  }
0xfa: {  	_ =	swait.ge [sflag:s10], $0x8118  }
0xfb: {  	[sflag:s10] =	ssyncset.done $0x0  }
0xfc: {  	[sflag:s10] =	ssyncadd.s32 $0xFFFF7EE8  }
0xfd: {  	[tilespmem:s12], [sflag:$0x3] =	stream.linear.gather [hbm4b:s31+s2], $0x8118, $0x38;
	[tilespmem:$0x18480] =	vst v63  }
0xfe: {  	_ =	swait.ge [sflag:s14], $0x8118  }
0xff: {  	[sflag:s14] =	ssyncset.done $0x0  }
0x100: {  	[sflag:s14] =	ssyncadd.s32 $0xFFFF7EE8  }
0x101: {  	[hbm4b:s30+s2] =	stream.linear.scatter [tilespmem:s2], [sflag:$0x4], $0x8118, $0x38;
	[tilespmem:$0x18480] =	vst v63  }
0x102: {  	_ =	swait.ge [sflag:s6], $0x8118  }
0x103: {  	[sflag:s6] =	ssyncset.done $0x0  }
0x104: {  	[sflag:s6] =	ssyncadd.s32 $0xFFFF7EE8  }
0x105: {  	[tilespmem:s2], [sflag:$0x1] =	stream.linear.gather [hbm4b:s29+s2], $0x8118, $0x38;
	[tilespmem:$0x18480] =	vst v63  }
0x106: {  	_ =	swait.ge [sflag:s11], $0x8118  }
0x107: {  	[sflag:s11] =	ssyncset.done $0x0  }
0x108: {  	[sflag:s11] =	ssyncadd.s32 $0xFFFF7EE8  }
0x109: {  	[hbm4b:s28+s2] =	stream.linear.scatter [tilespmem:s5], [sflag:$0x5], $0x8118, $0x38;
	[tilespmem:$0x18480] =	vst v63  }
0x10a: {  	_ =	swait.ge [sflag:s4], $0x8118  }
0x10b: {  	[sflag:s4] =	ssyncset.done $0x0  }
0x10c: {  	[sflag:s4] =	ssyncadd.s32 $0xFFFF7EE8  }
0x10d: {  	[tilespmem:s5], [sflag:$0x2] =	stream.linear.gather [hbm4b:s26+s2], $0x8118, $0x38;
	[tilespmem:$0x18480] =	vst v63  }
0x10e: {  	_ =	swait.ge [sflag:s19], $0x8118  }
0x10f: {  	[sflag:s19] =	ssyncset.done $0x0  }
0x110: {  	[sflag:s19] =	ssyncadd.s32 $0xFFFF7EE8  }
0x111: {  	[hbm4b:s25+s2] =	stream.linear.scatter [tilespmem:s12], [sflag:$0x6], $0x8118, $0x38;
	[tilespmem:$0x18480] =	vst v63  }
0x112: {  	_ =	swait.ge [sflag:s10], $0x8118  }
0x113: {  	[sflag:s10] =	ssyncset.done $0x0  }
0x114: {  	[sflag:s10] =	ssyncadd.s32 $0xFFFF7EE8  }
0x115: {  	[tilespmem:s12], [sflag:$0x3] =	stream.linear.gather [hbm4b:s24+s2], $0x8118, $0x38;
	[tilespmem:$0x18480] =	vst v63  }
0x116: {  	_ =	swait.ge [sflag:s14], $0x8118  }
0x117: {  	[sflag:s14] =	ssyncset.done $0x0  }
0x118: {  	[sflag:s14] =	ssyncadd.s32 $0xFFFF7EE8  }
0x119: {  	[hbm4b:s23+s2] =	stream.linear.scatter [tilespmem:s2], [sflag:$0x4], $0x8118, $0x38;
	[tilespmem:$0x18480] =	vst v63  }
0x11a: {  	_ =	swait.ge [sflag:s6], $0x8118  }
0x11b: {  	[sflag:s6] =	ssyncset.done $0x0  }
0x11c: {  	[sflag:s6] =	ssyncadd.s32 $0xFFFF7EE8  }
0x11d: {  	[tilespmem:s2], [sflag:$0x1] =	stream.linear.gather [hbm4b:s22+s2], $0x8118, $0x38;
	[tilespmem:$0x18480] =	vst v63  }
0x11e: {  	_ =	swait.ge [sflag:s11], $0x8118  }
0x11f: {  	[sflag:s11] =	ssyncset.done $0x0  }
0x120: {  	[sflag:s11] =	ssyncadd.s32 $0xFFFF7EE8  }
0x121: {  	[hbm4b:s21+s2] =	stream.linear.scatter [tilespmem:s5], [sflag:$0x5], $0x8118, $0x38;
	[tilespmem:$0x18480] =	vst v63  }
0x122: {  	_ =	swait.ge [sflag:s4], $0x8118  }
0x123: {  	[sflag:s4] =	ssyncset.done $0x0  }
0x124: {  	[sflag:s4] =	ssyncadd.s32 $0xFFFF7EE8  }
0x125: {  	[tilespmem:s5], [sflag:$0x2] =	stream.linear.gather [hbm4b:s20+s2], $0x8118, $0x38;
	[tilespmem:$0x18480] =	vst v63  }
0x126: {  	_ =	swait.ge [sflag:s19], $0x8118  }
0x127: {  	[sflag:s19] =	ssyncset.done $0x0  }
0x128: {  	[sflag:s19] =	ssyncadd.s32 $0xFFFF7EE8  }
0x129: {  	[hbm4b:s18+s2] =	stream.linear.scatter [tilespmem:s12], [sflag:$0x6], $0x8118, $0x38;
	[tilespmem:$0x18480] =	vst v63  }
0x12a: {  	_ =	swait.ge [sflag:s10], $0x8118  }
0x12b: {  	[sflag:s10] =	ssyncset.done $0x0  }
0x12c: {  	[sflag:s10] =	ssyncadd.s32 $0xFFFF7EE8  }
0x12d: {  	[tilespmem:s12], [sflag:$0x3] =	stream.linear.gather [hbm4b:s17+s2], $0x8118, $0x38;
	[tilespmem:$0x18480] =	vst v63  }
0x12e: {  	_ =	swait.ge [sflag:s14], $0x8118  }
0x12f: {  	[sflag:s14] =	ssyncset.done $0x0  }
0x130: {  	[sflag:s14] =	ssyncadd.s32 $0xFFFF7EE8  }
0x131: {  	[hbm4b:s16+s2] =	stream.linear.scatter [tilespmem:s2], [sflag:$0x4], $0x8118, $0x38;
	[tilespmem:$0x18480] =	vst v63  }
0x132: {  	_ =	swait.ge [sflag:s6], $0x8118  }
0x133: {  	[sflag:s6] =	ssyncset.done $0x0  }
0x134: {  	[sflag:s6] =	ssyncadd.s32 $0xFFFF7EE8  }
0x135: {  	[tilespmem:s2], [sflag:$0x1] =	stream.linear.gather [hbm4b:s15+s2], $0x8118, $0x38;
	[tilespmem:$0x18480] =	vst v63  }
0x136: {  	_ =	swait.ge [sflag:s11], $0x8118  }
0x137: {  	[sflag:s11] =	ssyncset.done $0x0  }
0x138: {  	[sflag:s11] =	ssyncadd.s32 $0xFFFF7EE8  }
0x139: {  	[hbm4b:s13+s2] =	stream.linear.scatter [tilespmem:s5], [sflag:$0x5], $0x8118, $0x38;
	[tilespmem:$0x18480] =	vst v63  }
0x13a: {  	_ =	swait.ge [sflag:s4], $0x8118  }
0x13b: {  	[sflag:s4] =	ssyncset.done $0x0  }
0x13c: {  	[sflag:s4] =	ssyncadd.s32 $0xFFFF7EE8  }
0x13d: {  	[tilespmem:s5], [sflag:$0x2] =	stream.linear.gather [hbm4b:s9+s2], $0x8118, $0x38;
	[tilespmem:$0x18480] =	vst v63  }
0x13e: {  	_ =	swait.ge [sflag:s19], $0x8118  }
0x13f: {  	[sflag:s19] =	ssyncset.done $0x0  }
0x140: {  	[sflag:s19] =	ssyncadd.s32 $0xFFFF7EE8  }
0x141: {  	[hbm4b:s8+s2] =	stream.linear.scatter [tilespmem:s12], [sflag:$0x6], $0x8118, $0x38;
	[tilespmem:$0x18480] =	vst v63  }
0x142: {  	_ =	swait.ge [sflag:s14], $0x8118  }
0x143: {  	[sflag:s14] =	ssyncset.done $0x0  }
0x144: {  	[sflag:s14] =	ssyncadd.s32 $0xFFFF7EE8  }
0x145: {  	[hbm4b:s7+s2] =	stream.linear.scatter [tilespmem:s2], [sflag:$0x4], $0x8118, $0x38;
	[tilespmem:$0x18480] =	vst v63  }
0x146: {  	_ =	swait.ge [sflag:s11], $0x8118  }
0x147: {  	[sflag:s11] =	ssyncset.done $0x0  }
0x148: {  	[sflag:s11] =	ssyncadd.s32 $0xFFFF7EE8  }
0x149: {  	[hbm4b:s3+s2] =	stream.linear.scatter [tilespmem:s5], [sflag:$0x5], $0x8118, $0x38;
	[tilespmem:$0x18480] =	vst v63  }
0x14a: {  	_ =	swait.ge [sflag:s10], $0x8118  }
0x14b: {  	[sflag:s10] =	ssyncset.done $0x0  }
0x14c: {  	[sflag:s10] =	ssyncadd.s32 $0xFFFF7EE8  }
0x14d: {  	_ =	swait.ge [sflag:s6], $0x8118  }
0x14e: {  	s1 =	sld [smem:$0x7EE];
	_ =	sdelay $0x2  }
0x14f: {  	p1 =	sne.s32 s1, $0x1  }
.Ltmp1:
0x150: {  	_ = 	snop;
	(pc) =	sbr.rel @!p1 .LBB2_3-.Ltmp1, $4  }
0x151: {  	[sflag:s6] =	ssyncset.done $0x0  }
0x152: {  	[sflag:s6] =	ssyncadd.s32 $0xFFFF7EE8  }
0x153: {  	p0 =	por $0x1, $0x1;
	_ =	swait.ge [sflag:s4], $0x8118  }
0x154: {  	s1 =	sadd.s32 $0xFFFFFFFF, s1;
	s0 =	rddreg [dreg:$0x3];
	[sflag:s4] =	ssyncset.done $0x0  }
.LBB2_2:
0x155: {  	[sflag:s4] =	ssyncadd.s32 $0xFFFF7EE8  }
0x156: {  	s12 =	smov.u32 s31;
	s31 =	smov.u32 s30;
	s30 =	smov.u32 s29  }
0x157: {  	s29 =	smov.u32 s28;
	s28 =	smov.u32 s26;
	s26 =	smov.u32 s25  }
0x158: {  	s25 =	smov.u32 s24;
	s24 =	smov.u32 s23;
	s23 =	smov.u32 s22  }
0x159: {  	s22 =	smov.u32 s21;
	s21 =	smov.u32 s20;
	s20 =	smov.u32 s18  }
0x15a: {  	s18 =	smov.u32 s17;
	s17 =	smov.u32 s16;
	s16 =	smov.u32 s15  }
0x15b: {  	s15 =	smov.u32 s13;
	s13 =	smov.u32 s9;
	s9 =	smov.u32 s8  }
0x15c: {  	s8 =	smov.u32 s7;
	s7 =	smov.u32 s3;
	s3 =	rddreg [dreg:$0x4]  }
0x15d: {  	[tilespmem:s2], [sflag:$0x1] =	stream.linear.gather [hbm4b:s0+s2], $0x8118, $0x38;
	[tilespmem:$0x18480] =	vst v63  }
0x15e: {  	s0 =	rddreg [dreg:$0x5]  }
0x15f: {  	[tilespmem:s5], [sflag:$0x2] =	stream.linear.gather [hbm4b:s3+s2], $0x8118, $0x38;
	[tilespmem:$0x18480] =	vst v63  }
0x160: {  	s3 =	smov.u32 s7;
	s7 =	smov.u32 s8;
	s8 =	smov.u32 s9  }
0x161: {  	s9 =	smov.u32 s13;
	s13 =	smov.u32 s15;
	s15 =	smov.u32 s16  }
0x162: {  	s16 =	smov.u32 s17;
	s17 =	smov.u32 s18;
	s18 =	smov.u32 s20  }
0x163: {  	s20 =	smov.u32 s21;
	s21 =	smov.u32 s22;
	s22 =	smov.u32 s23  }
0x164: {  	s23 =	smov.u32 s24;
	s24 =	smov.u32 s25;
	s25 =	smov.u32 s26  }
0x165: {  	s26 =	smov.u32 s28;
	s28 =	smov.u32 s29;
	s29 =	smov.u32 s30  }
0x166: {  	s30 =	smov.u32 s31;
	s31 =	smov.u32 s12;
	s12 =	simm.s32 $0x10300  }
0x167: {  	[tilespmem:s12], [sflag:$0x3] =	stream.linear.gather [hbm4b:s0+s2], $0x8118, $0x38;
	[tilespmem:$0x18480] =	vst v63  }
0x168: {  	_ =	swait.ge [sflag:s14], $0x8118  }
0x169: {  	[sflag:s14] =	ssyncset.done $0x0  }
0x16a: {  	s0 =	rddreg [dreg:$0x6];
	[sflag:s14] =	ssyncadd.s32 $0xFFFF7EE8  }
0x16b: {  	[hbm4b:s0+s2] =	stream.linear.scatter [tilespmem:s2], [sflag:$0x4], $0x8118, $0x38;
	[tilespmem:$0x18480] =	vst v63  }
0x16c: {  	_ =	swait.ge [sflag:s6], $0x8118  }
0x16d: {  	[sflag:s6] =	ssyncset.done $0x0  }
0x16e: {  	s0 =	rddreg [dreg:$0x7];
	[sflag:s6] =	ssyncadd.s32 $0xFFFF7EE8  }
0x16f: {  	[tilespmem:s2], [sflag:$0x1] =	stream.linear.gather [hbm4b:s0+s2], $0x8118, $0x38;
	[tilespmem:$0x18480] =	vst v63  }
0x170: {  	_ =	swait.ge [sflag:s11], $0x8118  }
0x171: {  	[sflag:s11] =	ssyncset.done $0x0  }
0x172: {  	s0 =	rddreg [dreg:$0x8];
	[sflag:s11] =	ssyncadd.s32 $0xFFFF7EE8  }
0x173: {  	[hbm4b:s0+s2] =	stream.linear.scatter [tilespmem:s5], [sflag:$0x5], $0x8118, $0x38;
	[tilespmem:$0x18480] =	vst v63  }
0x174: {  	_ =	swait.ge [sflag:s4], $0x8118  }
0x175: {  	[sflag:s4] =	ssyncset.done $0x0  }
0x176: {  	s0 =	rddreg [dreg:$0x9];
	[sflag:s4] =	ssyncadd.s32 $0xFFFF7EE8  }
0x177: {  	[tilespmem:s5], [sflag:$0x2] =	stream.linear.gather [hbm4b:s0+s2], $0x8118, $0x38;
	[tilespmem:$0x18480] =	vst v63  }
0x178: {  	_ =	swait.ge [sflag:s19], $0x8118  }
0x179: {  	[sflag:s19] =	ssyncset.done $0x0  }
0x17a: {  	s0 =	rddreg [dreg:$0xa];
	[sflag:s19] =	ssyncadd.s32 $0xFFFF7EE8  }
0x17b: {  	[hbm4b:s0+s2] =	stream.linear.scatter [tilespmem:s12], [sflag:$0x6], $0x8118, $0x38;
	[tilespmem:$0x18480] =	vst v63  }
0x17c: {  	_ =	swait.ge [sflag:s10], $0x8118  }
0x17d: {  	[sflag:s10] =	ssyncset.done $0x0  }
0x17e: {  	s0 =	rddreg [dreg:$0xb];
	[sflag:s10] =	ssyncadd.s32 $0xFFFF7EE8  }
0x17f: {  	[tilespmem:s12], [sflag:$0x3] =	stream.linear.gather [hbm4b:s0+s2], $0x8118, $0x38;
	[tilespmem:$0x18480] =	vst v63  }
0x180: {  	_ =	swait.ge [sflag:s14], $0x8118  }
0x181: {  	[sflag:s14] =	ssyncset.done $0x0  }
0x182: {  	s0 =	rddreg [dreg:$0xc];
	[sflag:s14] =	ssyncadd.s32 $0xFFFF7EE8  }
0x183: {  	[hbm4b:s0+s2] =	stream.linear.scatter [tilespmem:s2], [sflag:$0x4], $0x8118, $0x38;
	[tilespmem:$0x18480] =	vst v63  }
0x184: {  	_ =	swait.ge [sflag:s6], $0x8118  }
0x185: {  	[sflag:s6] =	ssyncset.done $0x0  }
0x186: {  	s0 =	rddreg [dreg:$0xd];
	[sflag:s6] =	ssyncadd.s32 $0xFFFF7EE8  }
0x187: {  	[tilespmem:s2], [sflag:$0x1] =	stream.linear.gather [hbm4b:s0+s2], $0x8118, $0x38;
	[tilespmem:$0x18480] =	vst v63  }
0x188: {  	_ =	swait.ge [sflag:s11], $0x8118  }
0x189: {  	[sflag:s11] =	ssyncset.done $0x0  }
0x18a: {  	s0 =	rddreg [dreg:$0xe];
	[sflag:s11] =	ssyncadd.s32 $0xFFFF7EE8  }
0x18b: {  	[hbm4b:s0+s2] =	stream.linear.scatter [tilespmem:s5], [sflag:$0x5], $0x8118, $0x38;
	[tilespmem:$0x18480] =	vst v63  }
0x18c: {  	_ =	swait.ge [sflag:s4], $0x8118  }
0x18d: {  	[sflag:s4] =	ssyncset.done $0x0  }
0x18e: {  	s0 =	rddreg [dreg:$0xf];
	[sflag:s4] =	ssyncadd.s32 $0xFFFF7EE8  }
0x18f: {  	[tilespmem:s5], [sflag:$0x2] =	stream.linear.gather [hbm4b:s0+s2], $0x8118, $0x38;
	[tilespmem:$0x18480] =	vst v63  }
0x190: {  	_ =	swait.ge [sflag:s19], $0x8118  }
0x191: {  	[sflag:s19] =	ssyncset.done $0x0  }
0x192: {  	s0 =	rddreg [dreg:$0x10];
	[sflag:s19] =	ssyncadd.s32 $0xFFFF7EE8  }
0x193: {  	[hbm4b:s0+s2] =	stream.linear.scatter [tilespmem:s12], [sflag:$0x6], $0x8118, $0x38;
	[tilespmem:$0x18480] =	vst v63  }
0x194: {  	_ =	swait.ge [sflag:s10], $0x8118  }
0x195: {  	[sflag:s10] =	ssyncset.done $0x0  }
0x196: {  	s0 =	rddreg [dreg:$0x11];
	[sflag:s10] =	ssyncadd.s32 $0xFFFF7EE8  }
0x197: {  	[tilespmem:s12], [sflag:$0x3] =	stream.linear.gather [hbm4b:s0+s2], $0x8118, $0x38;
	[tilespmem:$0x18480] =	vst v63  }
0x198: {  	_ =	swait.ge [sflag:s14], $0x8118  }
0x199: {  	[sflag:s14] =	ssyncset.done $0x0  }
0x19a: {  	s0 =	rddreg [dreg:$0x12];
	[sflag:s14] =	ssyncadd.s32 $0xFFFF7EE8  }
0x19b: {  	[hbm4b:s0+s2] =	stream.linear.scatter [tilespmem:s2], [sflag:$0x4], $0x8118, $0x38;
	[tilespmem:$0x18480] =	vst v63  }
0x19c: {  	_ =	swait.ge [sflag:s6], $0x8118  }
0x19d: {  	[sflag:s6] =	ssyncset.done $0x0  }
0x19e: {  	s0 =	rddreg [dreg:$0x13];
	[sflag:s6] =	ssyncadd.s32 $0xFFFF7EE8  }
0x19f: {  	[tilespmem:s2], [sflag:$0x1] =	stream.linear.gather [hbm4b:s0+s2], $0x8118, $0x38;
	[tilespmem:$0x18480] =	vst v63  }
0x1a0: {  	_ =	swait.ge [sflag:s11], $0x8118  }
0x1a1: {  	[sflag:s11] =	ssyncset.done $0x0  }
0x1a2: {  	s0 =	rddreg [dreg:$0x14];
	[sflag:s11] =	ssyncadd.s32 $0xFFFF7EE8  }
0x1a3: {  	[hbm4b:s0+s2] =	stream.linear.scatter [tilespmem:s5], [sflag:$0x5], $0x8118, $0x38;
	[tilespmem:$0x18480] =	vst v63  }
0x1a4: {  	_ =	swait.ge [sflag:s4], $0x8118  }
0x1a5: {  	[sflag:s4] =	ssyncset.done $0x0  }
0x1a6: {  	s0 =	rddreg [dreg:$0x15];
	[sflag:s4] =	ssyncadd.s32 $0xFFFF7EE8  }
0x1a7: {  	[tilespmem:s5], [sflag:$0x2] =	stream.linear.gather [hbm4b:s0+s2], $0x8118, $0x38;
	[tilespmem:$0x18480] =	vst v63  }
0x1a8: {  	_ =	swait.ge [sflag:s19], $0x8118  }
0x1a9: {  	[sflag:s19] =	ssyncset.done $0x0  }
0x1aa: {  	s0 =	rddreg [dreg:$0x16];
	[sflag:s19] =	ssyncadd.s32 $0xFFFF7EE8  }
0x1ab: {  	[hbm4b:s0+s2] =	stream.linear.scatter [tilespmem:s12], [sflag:$0x6], $0x8118, $0x38;
	[tilespmem:$0x18480] =	vst v63  }
0x1ac: {  	_ =	swait.ge [sflag:s10], $0x8118  }
0x1ad: {  	[sflag:s10] =	ssyncset.done $0x0  }
0x1ae: {  	s0 =	rddreg [dreg:$0x17];
	[sflag:s10] =	ssyncadd.s32 $0xFFFF7EE8  }
0x1af: {  	[tilespmem:s12], [sflag:$0x3] =	stream.linear.gather [hbm4b:s0+s2], $0x8118, $0x38;
	[tilespmem:$0x18480] =	vst v63  }
0x1b0: {  	_ =	swait.ge [sflag:s14], $0x8118  }
0x1b1: {  	[sflag:s14] =	ssyncset.done $0x0  }
0x1b2: {  	s0 =	rddreg [dreg:$0x18];
	[sflag:s14] =	ssyncadd.s32 $0xFFFF7EE8  }
0x1b3: {  	[hbm4b:s0+s2] =	stream.linear.scatter [tilespmem:s2], [sflag:$0x4], $0x8118, $0x38;
	[tilespmem:$0x18480] =	vst v63  }
0x1b4: {  	_ =	swait.ge [sflag:s6], $0x8118  }
0x1b5: {  	[sflag:s6] =	ssyncset.done $0x0  }
0x1b6: {  	s0 =	rddreg [dreg:$0x19];
	[sflag:s6] =	ssyncadd.s32 $0xFFFF7EE8  }
0x1b7: {  	[tilespmem:s2], [sflag:$0x1] =	stream.linear.gather [hbm4b:s0+s2], $0x8118, $0x38;
	[tilespmem:$0x18480] =	vst v63  }
0x1b8: {  	_ =	swait.ge [sflag:s11], $0x8118  }
0x1b9: {  	[sflag:s11] =	ssyncset.done $0x0  }
0x1ba: {  	s0 =	rddreg [dreg:$0x1a];
	[sflag:s11] =	ssyncadd.s32 $0xFFFF7EE8  }
0x1bb: {  	[hbm4b:s0+s2] =	stream.linear.scatter [tilespmem:s5], [sflag:$0x5], $0x8118, $0x38;
	[tilespmem:$0x18480] =	vst v63  }
0x1bc: {  	_ =	swait.ge [sflag:s4], $0x8118  }
0x1bd: {  	[sflag:s4] =	ssyncset.done $0x0  }
0x1be: {  	s0 =	rddreg [dreg:$0x1b];
	[sflag:s4] =	ssyncadd.s32 $0xFFFF7EE8  }
0x1bf: {  	[tilespmem:s5], [sflag:$0x2] =	stream.linear.gather [hbm4b:s0+s2], $0x8118, $0x38;
	[tilespmem:$0x18480] =	vst v63  }
0x1c0: {  	_ =	swait.ge [sflag:s19], $0x8118  }
0x1c1: {  	[sflag:s19] =	ssyncset.done $0x0  }
0x1c2: {  	s0 =	rddreg [dreg:$0x1c];
	[sflag:s19] =	ssyncadd.s32 $0xFFFF7EE8  }
0x1c3: {  	[hbm4b:s0+s2] =	stream.linear.scatter [tilespmem:s12], [sflag:$0x6], $0x8118, $0x38;
	[tilespmem:$0x18480] =	vst v63  }
0x1c4: {  	_ =	swait.ge [sflag:s10], $0x8118  }
0x1c5: {  	[sflag:s10] =	ssyncset.done $0x0  }
0x1c6: {  	s0 =	rddreg [dreg:$0x1d];
	[sflag:s10] =	ssyncadd.s32 $0xFFFF7EE8  }
0x1c7: {  	[tilespmem:s12], [sflag:$0x3] =	stream.linear.gather [hbm4b:s0+s2], $0x8118, $0x38;
	[tilespmem:$0x18480] =	vst v63  }
0x1c8: {  	_ =	swait.ge [sflag:s14], $0x8118  }
0x1c9: {  	[sflag:s14] =	ssyncset.done $0x0  }
0x1ca: {  	s0 =	rddreg [dreg:$0x1e];
	[sflag:s14] =	ssyncadd.s32 $0xFFFF7EE8  }
0x1cb: {  	[hbm4b:s0+s2] =	stream.linear.scatter [tilespmem:s2], [sflag:$0x4], $0x8118, $0x38;
	[tilespmem:$0x18480] =	vst v63  }
0x1cc: {  	_ =	swait.ge [sflag:s6], $0x8118  }
0x1cd: {  	[sflag:s6] =	ssyncset.done $0x0  }
0x1ce: {  	s0 =	rddreg [dreg:$0x1f];
	[sflag:s6] =	ssyncadd.s32 $0xFFFF7EE8  }
0x1cf: {  	[tilespmem:s2], [sflag:$0x1] =	stream.linear.gather [hbm4b:s0+s2], $0x8118, $0x38;
	[tilespmem:$0x18480] =	vst v63  }
0x1d0: {  	_ =	swait.ge [sflag:s11], $0x8118  }
0x1d1: {  	s0 =	sld [smem:$0x7EF]  }
0x1d2: {  	[sflag:s11] =	ssyncset.done $0x0  }
0x1d3: {  	[sflag:s11] =	ssyncadd.s32 $0xFFFF7EE8  }
0x1d4: {  	[hbm4b:s0+s2] =	stream.linear.scatter [tilespmem:s5], [sflag:$0x5], $0x8118, $0x38;
	[tilespmem:$0x18480] =	vst v63  }
0x1d5: {  	_ =	swait.ge [sflag:s4], $0x8118  }
0x1d6: {  	s0 =	sld [smem:$0x7F0]  }
0x1d7: {  	[sflag:s4] =	ssyncset.done $0x0  }
0x1d8: {  	[sflag:s4] =	ssyncadd.s32 $0xFFFF7EE8  }
0x1d9: {  	[tilespmem:s5], [sflag:$0x2] =	stream.linear.gather [hbm4b:s0+s2], $0x8118, $0x38;
	[tilespmem:$0x18480] =	vst v63  }
0x1da: {  	_ =	swait.ge [sflag:s19], $0x8118  }
0x1db: {  	s0 =	sld [smem:$0x7F1]  }
0x1dc: {  	[sflag:s19] =	ssyncset.done $0x0  }
0x1dd: {  	[sflag:s19] =	ssyncadd.s32 $0xFFFF7EE8  }
0x1de: {  	[hbm4b:s0+s2] =	stream.linear.scatter [tilespmem:s12], [sflag:$0x6], $0x8118, $0x38;
	[tilespmem:$0x18480] =	vst v63  }
0x1df: {  	_ =	swait.ge [sflag:s10], $0x8118  }
0x1e0: {  	s0 =	sld [smem:$0x7F2]  }
0x1e1: {  	[sflag:s10] =	ssyncset.done $0x0  }
0x1e2: {  	[sflag:s10] =	ssyncadd.s32 $0xFFFF7EE8  }
0x1e3: {  	[tilespmem:s12], [sflag:$0x3] =	stream.linear.gather [hbm4b:s0+s2], $0x8118, $0x38;
	[tilespmem:$0x18480] =	vst v63  }
0x1e4: {  	_ =	swait.ge [sflag:s14], $0x8118  }
0x1e5: {  	s0 =	sld [smem:$0x7F3]  }
0x1e6: {  	[sflag:s14] =	ssyncset.done $0x0  }
0x1e7: {  	[sflag:s14] =	ssyncadd.s32 $0xFFFF7EE8  }
0x1e8: {  	[hbm4b:s0+s2] =	stream.linear.scatter [tilespmem:s2], [sflag:$0x4], $0x8118, $0x38;
	[tilespmem:$0x18480] =	vst v63  }
0x1e9: {  	_ =	swait.ge [sflag:s6], $0x8118  }
0x1ea: {  	s0 =	sld [smem:$0x7F4]  }
0x1eb: {  	[sflag:s6] =	ssyncset.done $0x0  }
0x1ec: {  	[sflag:s6] =	ssyncadd.s32 $0xFFFF7EE8  }
0x1ed: {  	[tilespmem:s2], [sflag:$0x1] =	stream.linear.gather [hbm4b:s0+s2], $0x8118, $0x38;
	[tilespmem:$0x18480] =	vst v63  }
0x1ee: {  	_ =	swait.ge [sflag:s11], $0x8118  }
0x1ef: {  	s0 =	sld [smem:$0x7F5]  }
0x1f0: {  	[sflag:s11] =	ssyncset.done $0x0  }
0x1f1: {  	[sflag:s11] =	ssyncadd.s32 $0xFFFF7EE8  }
0x1f2: {  	[hbm4b:s0+s2] =	stream.linear.scatter [tilespmem:s5], [sflag:$0x5], $0x8118, $0x38;
	[tilespmem:$0x18480] =	vst v63  }
0x1f3: {  	_ =	swait.ge [sflag:s4], $0x8118  }
0x1f4: {  	s0 =	sld [smem:$0x7F6]  }
0x1f5: {  	[sflag:s4] =	ssyncset.done $0x0  }
0x1f6: {  	[sflag:s4] =	ssyncadd.s32 $0xFFFF7EE8  }
0x1f7: {  	[tilespmem:s5], [sflag:$0x2] =	stream.linear.gather [hbm4b:s0+s2], $0x8118, $0x38;
	[tilespmem:$0x18480] =	vst v63  }
0x1f8: {  	_ =	swait.ge [sflag:s19], $0x8118  }
0x1f9: {  	s0 =	sld [smem:$0x7F7]  }
0x1fa: {  	[sflag:s19] =	ssyncset.done $0x0  }
0x1fb: {  	[sflag:s19] =	ssyncadd.s32 $0xFFFF7EE8  }
0x1fc: {  	[hbm4b:s0+s2] =	stream.linear.scatter [tilespmem:s12], [sflag:$0x6], $0x8118, $0x38;
	[tilespmem:$0x18480] =	vst v63  }
0x1fd: {  	_ =	swait.ge [sflag:s10], $0x8118  }
0x1fe: {  	s0 =	sld [smem:$0x7F8]  }
0x1ff: {  	[sflag:s10] =	ssyncset.done $0x0  }
0x200: {  	[sflag:s10] =	ssyncadd.s32 $0xFFFF7EE8  }
0x201: {  	[tilespmem:s12], [sflag:$0x3] =	stream.linear.gather [hbm4b:s0+s2], $0x8118, $0x38;
	[tilespmem:$0x18480] =	vst v63  }
0x202: {  	_ =	swait.ge [sflag:s14], $0x8118  }
0x203: {  	s0 =	sld [smem:$0x7F9]  }
0x204: {  	[sflag:s14] =	ssyncset.done $0x0  }
0x205: {  	[sflag:s14] =	ssyncadd.s32 $0xFFFF7EE8  }
0x206: {  	[hbm4b:s0+s2] =	stream.linear.scatter [tilespmem:s2], [sflag:$0x4], $0x8118, $0x38;
	[tilespmem:$0x18480] =	vst v63  }
0x207: {  	_ =	swait.ge [sflag:s6], $0x8118  }
0x208: {  	s0 =	sld [smem:$0x7FA]  }
0x209: {  	[sflag:s6] =	ssyncset.done $0x0  }
0x20a: {  	[sflag:s6] =	ssyncadd.s32 $0xFFFF7EE8  }
0x20b: {  	[tilespmem:s2], [sflag:$0x1] =	stream.linear.gather [hbm4b:s0+s2], $0x8118, $0x38;
	[tilespmem:$0x18480] =	vst v63  }
0x20c: {  	_ =	swait.ge [sflag:s11], $0x8118  }
0x20d: {  	s0 =	sld [smem:$0x7FB]  }
0x20e: {  	[sflag:s11] =	ssyncset.done $0x0  }
0x20f: {  	[sflag:s11] =	ssyncadd.s32 $0xFFFF7EE8  }
0x210: {  	[hbm4b:s0+s2] =	stream.linear.scatter [tilespmem:s5], [sflag:$0x5], $0x8118, $0x38;
	[tilespmem:$0x18480] =	vst v63  }
0x211: {  	_ =	swait.ge [sflag:s4], $0x8118  }
0x212: {  	s0 =	sld [smem:$0x7FC]  }
0x213: {  	[sflag:s4] =	ssyncset.done $0x0  }
0x214: {  	[sflag:s4] =	ssyncadd.s32 $0xFFFF7EE8  }
0x215: {  	[tilespmem:s5], [sflag:$0x2] =	stream.linear.gather [hbm4b:s0+s2], $0x8118, $0x38;
	[tilespmem:$0x18480] =	vst v63  }
0x216: {  	_ =	swait.ge [sflag:s19], $0x8118  }
0x217: {  	s0 =	sld [smem:$0x7FD]  }
0x218: {  	[sflag:s19] =	ssyncset.done $0x0  }
0x219: {  	[sflag:s19] =	ssyncadd.s32 $0xFFFF7EE8  }
0x21a: {  	[hbm4b:s0+s2] =	stream.linear.scatter [tilespmem:s12], [sflag:$0x6], $0x8118, $0x38;
	[tilespmem:$0x18480] =	vst v63  }
0x21b: {  	_ =	swait.ge [sflag:s10], $0x8118  }
0x21c: {  	[sflag:s10] =	ssyncset.done $0x0  }
0x21d: {  	[sflag:s10] =	ssyncadd.s32 $0xFFFF7EE8  }
0x21e: {  	[tilespmem:s12], [sflag:$0x3] =	stream.linear.gather [hbm4b:s31+s2], $0x8118, $0x38;
	[tilespmem:$0x18480] =	vst v63  }
0x21f: {  	_ =	swait.ge [sflag:s14], $0x8118  }
0x220: {  	[sflag:s14] =	ssyncset.done $0x0  }
0x221: {  	[sflag:s14] =	ssyncadd.s32 $0xFFFF7EE8  }
0x222: {  	[hbm4b:s30+s2] =	stream.linear.scatter [tilespmem:s2], [sflag:$0x4], $0x8118, $0x38;
	[tilespmem:$0x18480] =	vst v63  }
0x223: {  	_ =	swait.ge [sflag:s6], $0x8118  }
0x224: {  	[sflag:s6] =	ssyncset.done $0x0  }
0x225: {  	[sflag:s6] =	ssyncadd.s32 $0xFFFF7EE8  }
0x226: {  	[tilespmem:s2], [sflag:$0x1] =	stream.linear.gather [hbm4b:s29+s2], $0x8118, $0x38;
	[tilespmem:$0x18480] =	vst v63  }
0x227: {  	_ =	swait.ge [sflag:s11], $0x8118  }
0x228: {  	[sflag:s11] =	ssyncset.done $0x0  }
0x229: {  	[sflag:s11] =	ssyncadd.s32 $0xFFFF7EE8  }
0x22a: {  	[hbm4b:s28+s2] =	stream.linear.scatter [tilespmem:s5], [sflag:$0x5], $0x8118, $0x38;
	[tilespmem:$0x18480] =	vst v63  }
0x22b: {  	_ =	swait.ge [sflag:s4], $0x8118  }
0x22c: {  	[sflag:s4] =	ssyncset.done $0x0  }
0x22d: {  	[sflag:s4] =	ssyncadd.s32 $0xFFFF7EE8  }
0x22e: {  	[tilespmem:s5], [sflag:$0x2] =	stream.linear.gather [hbm4b:s26+s2], $0x8118, $0x38;
	[tilespmem:$0x18480] =	vst v63  }
0x22f: {  	_ =	swait.ge [sflag:s19], $0x8118  }
0x230: {  	[sflag:s19] =	ssyncset.done $0x0  }
0x231: {  	[sflag:s19] =	ssyncadd.s32 $0xFFFF7EE8  }
0x232: {  	[hbm4b:s25+s2] =	stream.linear.scatter [tilespmem:s12], [sflag:$0x6], $0x8118, $0x38;
	[tilespmem:$0x18480] =	vst v63  }
0x233: {  	_ =	swait.ge [sflag:s10], $0x8118  }
0x234: {  	[sflag:s10] =	ssyncset.done $0x0  }
0x235: {  	[sflag:s10] =	ssyncadd.s32 $0xFFFF7EE8  }
0x236: {  	[tilespmem:s12], [sflag:$0x3] =	stream.linear.gather [hbm4b:s24+s2], $0x8118, $0x38;
	[tilespmem:$0x18480] =	vst v63  }
0x237: {  	_ =	swait.ge [sflag:s14], $0x8118  }
0x238: {  	[sflag:s14] =	ssyncset.done $0x0  }
0x239: {  	[sflag:s14] =	ssyncadd.s32 $0xFFFF7EE8  }
0x23a: {  	[hbm4b:s23+s2] =	stream.linear.scatter [tilespmem:s2], [sflag:$0x4], $0x8118, $0x38;
	[tilespmem:$0x18480] =	vst v63  }
0x23b: {  	_ =	swait.ge [sflag:s6], $0x8118  }
0x23c: {  	[sflag:s6] =	ssyncset.done $0x0  }
0x23d: {  	[sflag:s6] =	ssyncadd.s32 $0xFFFF7EE8  }
0x23e: {  	[tilespmem:s2], [sflag:$0x1] =	stream.linear.gather [hbm4b:s22+s2], $0x8118, $0x38;
	[tilespmem:$0x18480] =	vst v63  }
0x23f: {  	_ =	swait.ge [sflag:s11], $0x8118  }
0x240: {  	[sflag:s11] =	ssyncset.done $0x0  }
0x241: {  	[sflag:s11] =	ssyncadd.s32 $0xFFFF7EE8  }
0x242: {  	[hbm4b:s21+s2] =	stream.linear.scatter [tilespmem:s5], [sflag:$0x5], $0x8118, $0x38;
	[tilespmem:$0x18480] =	vst v63  }
0x243: {  	_ =	swait.ge [sflag:s4], $0x8118  }
0x244: {  	[sflag:s4] =	ssyncset.done $0x0  }
0x245: {  	[sflag:s4] =	ssyncadd.s32 $0xFFFF7EE8  }
0x246: {  	[tilespmem:s5], [sflag:$0x2] =	stream.linear.gather [hbm4b:s20+s2], $0x8118, $0x38;
	[tilespmem:$0x18480] =	vst v63  }
0x247: {  	_ =	swait.ge [sflag:s19], $0x8118  }
0x248: {  	[sflag:s19] =	ssyncset.done $0x0  }
0x249: {  	[sflag:s19] =	ssyncadd.s32 $0xFFFF7EE8  }
0x24a: {  	[hbm4b:s18+s2] =	stream.linear.scatter [tilespmem:s12], [sflag:$0x6], $0x8118, $0x38;
	[tilespmem:$0x18480] =	vst v63  }
0x24b: {  	_ =	swait.ge [sflag:s10], $0x8118  }
0x24c: {  	[sflag:s10] =	ssyncset.done $0x0  }
0x24d: {  	[sflag:s10] =	ssyncadd.s32 $0xFFFF7EE8  }
0x24e: {  	[tilespmem:s12], [sflag:$0x3] =	stream.linear.gather [hbm4b:s17+s2], $0x8118, $0x38;
	[tilespmem:$0x18480] =	vst v63  }
0x24f: {  	_ =	swait.ge [sflag:s14], $0x8118  }
0x250: {  	[sflag:s14] =	ssyncset.done $0x0  }
0x251: {  	[sflag:s14] =	ssyncadd.s32 $0xFFFF7EE8  }
0x252: {  	[hbm4b:s16+s2] =	stream.linear.scatter [tilespmem:s2], [sflag:$0x4], $0x8118, $0x38;
	[tilespmem:$0x18480] =	vst v63  }
0x253: {  	_ =	swait.ge [sflag:s6], $0x8118  }
0x254: {  	[sflag:s6] =	ssyncset.done $0x0  }
0x255: {  	[sflag:s6] =	ssyncadd.s32 $0xFFFF7EE8  }
0x256: {  	[tilespmem:s2], [sflag:$0x1] =	stream.linear.gather [hbm4b:s15+s2], $0x8118, $0x38;
	[tilespmem:$0x18480] =	vst v63  }
0x257: {  	_ =	swait.ge [sflag:s11], $0x8118  }
0x258: {  	[sflag:s11] =	ssyncset.done $0x0  }
0x259: {  	[sflag:s11] =	ssyncadd.s32 $0xFFFF7EE8  }
0x25a: {  	[hbm4b:s13+s2] =	stream.linear.scatter [tilespmem:s5], [sflag:$0x5], $0x8118, $0x38;
	[tilespmem:$0x18480] =	vst v63  }
0x25b: {  	_ =	swait.ge [sflag:s4], $0x8118  }
0x25c: {  	[sflag:s4] =	ssyncset.done $0x0  }
0x25d: {  	[sflag:s4] =	ssyncadd.s32 $0xFFFF7EE8  }
0x25e: {  	[tilespmem:s5], [sflag:$0x2] =	stream.linear.gather [hbm4b:s9+s2], $0x8118, $0x38;
	[tilespmem:$0x18480] =	vst v63  }
0x25f: {  	_ =	swait.ge [sflag:s19], $0x8118  }
0x260: {  	[sflag:s19] =	ssyncset.done $0x0  }
0x261: {  	[sflag:s19] =	ssyncadd.s32 $0xFFFF7EE8  }
0x262: {  	[hbm4b:s8+s2] =	stream.linear.scatter [tilespmem:s12], [sflag:$0x6], $0x8118, $0x38;
	[tilespmem:$0x18480] =	vst v63  }
0x263: {  	_ =	swait.ge [sflag:s14], $0x8118  }
0x264: {  	[sflag:s14] =	ssyncset.done $0x0  }
0x265: {  	[sflag:s14] =	ssyncadd.s32 $0xFFFF7EE8  }
0x266: {  	[hbm4b:s7+s2] =	stream.linear.scatter [tilespmem:s2], [sflag:$0x4], $0x8118, $0x38;
	[tilespmem:$0x18480] =	vst v63  }
0x267: {  	_ =	swait.ge [sflag:s11], $0x8118  }
0x268: {  	[sflag:s11] =	ssyncset.done $0x0  }
0x269: {  	[sflag:s11] =	ssyncadd.s32 $0xFFFF7EE8  }
0x26a: {  	[hbm4b:s3+s2] =	stream.linear.scatter [tilespmem:s5], [sflag:$0x5], $0x8118, $0x38;
	[tilespmem:$0x18480] =	vst v63  }
0x26b: {  	_ =	swait.ge [sflag:s10], $0x8118  }
0x26c: {  	[sflag:s10] =	ssyncset.done $0x0  }
0x26d: {  	p1 =	sne.s32 s1, $0x1;
	[sflag:s10] =	ssyncadd.s32 $0xFFFF7EE8  }
.Ltmp2:
0x26e: {  	_ =	swait.ge [sflag:s6], $0x8118;
	(pc) =	sbr.rel @p1 .LBB2_2-.Ltmp2, $4  }
0x26f: {  	[sflag:s6] =	ssyncset.done $0x0  }
0x270: {  	[sflag:s6] =	ssyncadd.s32 $0xFFFF7EE8  }
0x271: {  	_ =	swait.ge [sflag:s4], $0x8118  }
0x272: {  	s1 =	sadd.s32 $0xFFFFFFFF, s1;
	s0 =	rddreg [dreg:$0x3];
	[sflag:s4] =	ssyncset.done $0x0  }
.LBB2_3:
0x273: {  	[sflag:s4] =	ssyncadd.s32 @p0 $0xFFFF7EE8  }
0x274: {  	[tilespmem:s2], [sflag:$0x1] =	stream.linear.gather [hbm4b:s0+s2], $0x8118, $0x38;
	[tilespmem:$0x18480] =	vst v63  }
0x275: {  	s1 =	rddreg [dreg:$0x4]  }
0x276: {  	[tilespmem:s5], [sflag:$0x2] =	stream.linear.gather [hbm4b:s1+s2], $0x8118, $0x38;
	[tilespmem:$0x18480] =	vst v63  }
0x277: {  	s0 =	rddreg [dreg:$0x5]  }
0x278: {  	[tilespmem:s12], [sflag:$0x3] =	stream.linear.gather [hbm4b:s0+s2], $0x8118, $0x38;
	[tilespmem:$0x18480] =	vst v63  }
0x279: {  	_ =	swait.ge [sflag:s14], $0x8118  }
0x27a: {  	[sflag:s14] =	ssyncset.done $0x0  }
0x27b: {  	s1 =	rddreg [dreg:$0x6];
	[sflag:s14] =	ssyncadd.s32 $0xFFFF7EE8  }
0x27c: {  	[hbm4b:s1+s2] =	stream.linear.scatter [tilespmem:s2], [sflag:$0x4], $0x8118, $0x38;
	[tilespmem:$0x18480] =	vst v63  }
0x27d: {  	_ =	swait.ge [sflag:s6], $0x8118  }
0x27e: {  	[sflag:s6] =	ssyncset.done $0x0  }
0x27f: {  	s1 =	rddreg [dreg:$0x7];
	[sflag:s6] =	ssyncadd.s32 $0xFFFF7EE8  }
0x280: {  	[tilespmem:s2], [sflag:$0x1] =	stream.linear.gather [hbm4b:s1+s2], $0x8118, $0x38;
	[tilespmem:$0x18480] =	vst v63  }
0x281: {  	_ =	swait.ge [sflag:s11], $0x8118  }
0x282: {  	[sflag:s11] =	ssyncset.done $0x0  }
0x283: {  	s1 =	rddreg [dreg:$0x8];
	[sflag:s11] =	ssyncadd.s32 $0xFFFF7EE8  }
0x284: {  	[hbm4b:s1+s2] =	stream.linear.scatter [tilespmem:s5], [sflag:$0x5], $0x8118, $0x38;
	[tilespmem:$0x18480] =	vst v63  }
0x285: {  	_ =	swait.ge [sflag:s4], $0x8118  }
0x286: {  	[sflag:s4] =	ssyncset.done $0x0  }
0x287: {  	s1 =	rddreg [dreg:$0x9];
	[sflag:s4] =	ssyncadd.s32 $0xFFFF7EE8  }
0x288: {  	[tilespmem:s5], [sflag:$0x2] =	stream.linear.gather [hbm4b:s1+s2], $0x8118, $0x38;
	[tilespmem:$0x18480] =	vst v63  }
0x289: {  	_ =	swait.ge [sflag:s19], $0x8118  }
0x28a: {  	[sflag:s19] =	ssyncset.done $0x0  }
0x28b: {  	s1 =	rddreg [dreg:$0xa];
	[sflag:s19] =	ssyncadd.s32 $0xFFFF7EE8  }
0x28c: {  	[hbm4b:s1+s2] =	stream.linear.scatter [tilespmem:s12], [sflag:$0x6], $0x8118, $0x38;
	[tilespmem:$0x18480] =	vst v63  }
0x28d: {  	_ =	swait.ge [sflag:s10], $0x8118  }
0x28e: {  	[sflag:s10] =	ssyncset.done $0x0  }
0x28f: {  	s1 =	rddreg [dreg:$0xb];
	[sflag:s10] =	ssyncadd.s32 $0xFFFF7EE8  }
0x290: {  	[tilespmem:s12], [sflag:$0x3] =	stream.linear.gather [hbm4b:s1+s2], $0x8118, $0x38;
	[tilespmem:$0x18480] =	vst v63  }
0x291: {  	_ =	swait.ge [sflag:s14], $0x8118  }
0x292: {  	[sflag:s14] =	ssyncset.done $0x0  }
0x293: {  	s1 =	rddreg [dreg:$0xc];
	[sflag:s14] =	ssyncadd.s32 $0xFFFF7EE8  }
0x294: {  	[hbm4b:s1+s2] =	stream.linear.scatter [tilespmem:s2], [sflag:$0x4], $0x8118, $0x38;
	[tilespmem:$0x18480] =	vst v63  }
0x295: {  	_ =	swait.ge [sflag:s6], $0x8118  }
0x296: {  	[sflag:s6] =	ssyncset.done $0x0  }
0x297: {  	s1 =	rddreg [dreg:$0xd];
	[sflag:s6] =	ssyncadd.s32 $0xFFFF7EE8  }
0x298: {  	[tilespmem:s2], [sflag:$0x1] =	stream.linear.gather [hbm4b:s1+s2], $0x8118, $0x38;
	[tilespmem:$0x18480] =	vst v63  }
0x299: {  	_ =	swait.ge [sflag:s11], $0x8118  }
0x29a: {  	[sflag:s11] =	ssyncset.done $0x0  }
0x29b: {  	s1 =	rddreg [dreg:$0xe];
	[sflag:s11] =	ssyncadd.s32 $0xFFFF7EE8  }
0x29c: {  	[hbm4b:s1+s2] =	stream.linear.scatter [tilespmem:s5], [sflag:$0x5], $0x8118, $0x38;
	[tilespmem:$0x18480] =	vst v63  }
0x29d: {  	_ =	swait.ge [sflag:s4], $0x8118  }
0x29e: {  	[sflag:s4] =	ssyncset.done $0x0  }
0x29f: {  	s1 =	rddreg [dreg:$0xf];
	[sflag:s4] =	ssyncadd.s32 $0xFFFF7EE8  }
0x2a0: {  	[tilespmem:s5], [sflag:$0x2] =	stream.linear.gather [hbm4b:s1+s2], $0x8118, $0x38;
	[tilespmem:$0x18480] =	vst v63  }
0x2a1: {  	_ =	swait.ge [sflag:s19], $0x8118  }
0x2a2: {  	[sflag:s19] =	ssyncset.done $0x0  }
0x2a3: {  	s1 =	rddreg [dreg:$0x10];
	[sflag:s19] =	ssyncadd.s32 $0xFFFF7EE8  }
0x2a4: {  	[hbm4b:s1+s2] =	stream.linear.scatter [tilespmem:s12], [sflag:$0x6], $0x8118, $0x38;
	[tilespmem:$0x18480] =	vst v63  }
0x2a5: {  	_ =	swait.ge [sflag:s10], $0x8118  }
0x2a6: {  	[sflag:s10] =	ssyncset.done $0x0  }
0x2a7: {  	s1 =	rddreg [dreg:$0x11];
	[sflag:s10] =	ssyncadd.s32 $0xFFFF7EE8  }
0x2a8: {  	[tilespmem:s12], [sflag:$0x3] =	stream.linear.gather [hbm4b:s1+s2], $0x8118, $0x38;
	[tilespmem:$0x18480] =	vst v63  }
0x2a9: {  	_ =	swait.ge [sflag:s14], $0x8118  }
0x2aa: {  	[sflag:s14] =	ssyncset.done $0x0  }
0x2ab: {  	s1 =	rddreg [dreg:$0x12];
	[sflag:s14] =	ssyncadd.s32 $0xFFFF7EE8  }
0x2ac: {  	[hbm4b:s1+s2] =	stream.linear.scatter [tilespmem:s2], [sflag:$0x4], $0x8118, $0x38;
	[tilespmem:$0x18480] =	vst v63  }
0x2ad: {  	_ =	swait.ge [sflag:s6], $0x8118  }
0x2ae: {  	[sflag:s6] =	ssyncset.done $0x0  }
0x2af: {  	s1 =	rddreg [dreg:$0x13];
	[sflag:s6] =	ssyncadd.s32 $0xFFFF7EE8  }
0x2b0: {  	[tilespmem:s2], [sflag:$0x1] =	stream.linear.gather [hbm4b:s1+s2], $0x8118, $0x38;
	[tilespmem:$0x18480] =	vst v63  }
0x2b1: {  	_ =	swait.ge [sflag:s11], $0x8118  }
0x2b2: {  	[sflag:s11] =	ssyncset.done $0x0  }
0x2b3: {  	s1 =	rddreg [dreg:$0x14];
	[sflag:s11] =	ssyncadd.s32 $0xFFFF7EE8  }
0x2b4: {  	[hbm4b:s1+s2] =	stream.linear.scatter [tilespmem:s5], [sflag:$0x5], $0x8118, $0x38;
	[tilespmem:$0x18480] =	vst v63  }
0x2b5: {  	_ =	swait.ge [sflag:s4], $0x8118  }
0x2b6: {  	[sflag:s4] =	ssyncset.done $0x0  }
0x2b7: {  	s1 =	rddreg [dreg:$0x15];
	[sflag:s4] =	ssyncadd.s32 $0xFFFF7EE8  }
0x2b8: {  	[tilespmem:s5], [sflag:$0x2] =	stream.linear.gather [hbm4b:s1+s2], $0x8118, $0x38;
	[tilespmem:$0x18480] =	vst v63  }
0x2b9: {  	_ =	swait.ge [sflag:s19], $0x8118  }
0x2ba: {  	[sflag:s19] =	ssyncset.done $0x0  }
0x2bb: {  	s1 =	rddreg [dreg:$0x16];
	[sflag:s19] =	ssyncadd.s32 $0xFFFF7EE8  }
0x2bc: {  	[hbm4b:s1+s2] =	stream.linear.scatter [tilespmem:s12], [sflag:$0x6], $0x8118, $0x38;
	[tilespmem:$0x18480] =	vst v63  }
0x2bd: {  	_ =	swait.ge [sflag:s10], $0x8118  }
0x2be: {  	[sflag:s10] =	ssyncset.done $0x0  }
0x2bf: {  	s1 =	rddreg [dreg:$0x17];
	[sflag:s10] =	ssyncadd.s32 $0xFFFF7EE8  }
0x2c0: {  	[tilespmem:s12], [sflag:$0x3] =	stream.linear.gather [hbm4b:s1+s2], $0x8118, $0x38;
	[tilespmem:$0x18480] =	vst v63  }
0x2c1: {  	_ =	swait.ge [sflag:s14], $0x8118  }
0x2c2: {  	[sflag:s14] =	ssyncset.done $0x0  }
0x2c3: {  	s1 =	rddreg [dreg:$0x18];
	[sflag:s14] =	ssyncadd.s32 $0xFFFF7EE8  }
0x2c4: {  	[hbm4b:s1+s2] =	stream.linear.scatter [tilespmem:s2], [sflag:$0x4], $0x8118, $0x38;
	[tilespmem:$0x18480] =	vst v63  }
0x2c5: {  	_ =	swait.ge [sflag:s6], $0x8118  }
0x2c6: {  	[sflag:s6] =	ssyncset.done $0x0  }
0x2c7: {  	s1 =	rddreg [dreg:$0x19];
	[sflag:s6] =	ssyncadd.s32 $0xFFFF7EE8  }
0x2c8: {  	[tilespmem:s2], [sflag:$0x1] =	stream.linear.gather [hbm4b:s1+s2], $0x8118, $0x38;
	[tilespmem:$0x18480] =	vst v63  }
0x2c9: {  	_ =	swait.ge [sflag:s11], $0x8118  }
0x2ca: {  	[sflag:s11] =	ssyncset.done $0x0  }
0x2cb: {  	s1 =	rddreg [dreg:$0x1a];
	[sflag:s11] =	ssyncadd.s32 $0xFFFF7EE8  }
0x2cc: {  	[hbm4b:s1+s2] =	stream.linear.scatter [tilespmem:s5], [sflag:$0x5], $0x8118, $0x38;
	[tilespmem:$0x18480] =	vst v63  }
0x2cd: {  	_ =	swait.ge [sflag:s4], $0x8118  }
0x2ce: {  	[sflag:s4] =	ssyncset.done $0x0  }
0x2cf: {  	s1 =	rddreg [dreg:$0x1b];
	[sflag:s4] =	ssyncadd.s32 $0xFFFF7EE8  }
0x2d0: {  	[tilespmem:s5], [sflag:$0x2] =	stream.linear.gather [hbm4b:s1+s2], $0x8118, $0x38;
	[tilespmem:$0x18480] =	vst v63  }
0x2d1: {  	_ =	swait.ge [sflag:s19], $0x8118  }
0x2d2: {  	[sflag:s19] =	ssyncset.done $0x0  }
0x2d3: {  	s1 =	rddreg [dreg:$0x1c];
	[sflag:s19] =	ssyncadd.s32 $0xFFFF7EE8  }
0x2d4: {  	[hbm4b:s1+s2] =	stream.linear.scatter [tilespmem:s12], [sflag:$0x6], $0x8118, $0x38;
	[tilespmem:$0x18480] =	vst v63  }
0x2d5: {  	_ =	swait.ge [sflag:s10], $0x8118  }
0x2d6: {  	[sflag:s10] =	ssyncset.done $0x0  }
0x2d7: {  	s1 =	rddreg [dreg:$0x1d];
	[sflag:s10] =	ssyncadd.s32 $0xFFFF7EE8  }
0x2d8: {  	[tilespmem:s12], [sflag:$0x3] =	stream.linear.gather [hbm4b:s1+s2], $0x8118, $0x38;
	[tilespmem:$0x18480] =	vst v63  }
0x2d9: {  	_ =	swait.ge [sflag:s14], $0x8118  }
0x2da: {  	[sflag:s14] =	ssyncset.done $0x0  }
0x2db: {  	s1 =	rddreg [dreg:$0x1e];
	[sflag:s14] =	ssyncadd.s32 $0xFFFF7EE8  }
0x2dc: {  	[hbm4b:s1+s2] =	stream.linear.scatter [tilespmem:s2], [sflag:$0x4], $0x8118, $0x38;
	[tilespmem:$0x18480] =	vst v63  }
0x2dd: {  	_ =	swait.ge [sflag:s6], $0x8118  }
0x2de: {  	[sflag:s6] =	ssyncset.done $0x0  }
0x2df: {  	s1 =	rddreg [dreg:$0x1f];
	[sflag:s6] =	ssyncadd.s32 $0xFFFF7EE8  }
0x2e0: {  	[tilespmem:s2], [sflag:$0x1] =	stream.linear.gather [hbm4b:s1+s2], $0x8118, $0x38;
	[tilespmem:$0x18480] =	vst v63  }
0x2e1: {  	_ =	swait.ge [sflag:s11], $0x8118  }
0x2e2: {  	s1 =	sld [smem:$0x7EF]  }
0x2e3: {  	[sflag:s11] =	ssyncset.done $0x0  }
0x2e4: {  	[sflag:s11] =	ssyncadd.s32 $0xFFFF7EE8  }
0x2e5: {  	[hbm4b:s1+s2] =	stream.linear.scatter [tilespmem:s5], [sflag:$0x5], $0x8118, $0x38;
	[tilespmem:$0x18480] =	vst v63  }
0x2e6: {  	_ =	swait.ge [sflag:s4], $0x8118  }
0x2e7: {  	s1 =	sld [smem:$0x7F0]  }
0x2e8: {  	[sflag:s4] =	ssyncset.done $0x0  }
0x2e9: {  	[sflag:s4] =	ssyncadd.s32 $0xFFFF7EE8  }
0x2ea: {  	[tilespmem:s5], [sflag:$0x2] =	stream.linear.gather [hbm4b:s1+s2], $0x8118, $0x38;
	[tilespmem:$0x18480] =	vst v63  }
0x2eb: {  	_ =	swait.ge [sflag:s19], $0x8118  }
0x2ec: {  	s1 =	sld [smem:$0x7F1]  }
0x2ed: {  	[sflag:s19] =	ssyncset.done $0x0  }
0x2ee: {  	[sflag:s19] =	ssyncadd.s32 $0xFFFF7EE8  }
0x2ef: {  	[hbm4b:s1+s2] =	stream.linear.scatter [tilespmem:s12], [sflag:$0x6], $0x8118, $0x38;
	[tilespmem:$0x18480] =	vst v63  }
0x2f0: {  	_ =	swait.ge [sflag:s10], $0x8118  }
0x2f1: {  	s1 =	sld [smem:$0x7F2]  }
0x2f2: {  	[sflag:s10] =	ssyncset.done $0x0  }
0x2f3: {  	[sflag:s10] =	ssyncadd.s32 $0xFFFF7EE8  }
0x2f4: {  	[tilespmem:s12], [sflag:$0x3] =	stream.linear.gather [hbm4b:s1+s2], $0x8118, $0x38;
	[tilespmem:$0x18480] =	vst v63  }
0x2f5: {  	_ =	swait.ge [sflag:s14], $0x8118  }
0x2f6: {  	s1 =	sld [smem:$0x7F3]  }
0x2f7: {  	[sflag:s14] =	ssyncset.done $0x0  }
0x2f8: {  	[sflag:s14] =	ssyncadd.s32 $0xFFFF7EE8  }
0x2f9: {  	[hbm4b:s1+s2] =	stream.linear.scatter [tilespmem:s2], [sflag:$0x4], $0x8118, $0x38;
	[tilespmem:$0x18480] =	vst v63  }
0x2fa: {  	_ =	swait.ge [sflag:s6], $0x8118  }
0x2fb: {  	s1 =	sld [smem:$0x7F4]  }
0x2fc: {  	[sflag:s6] =	ssyncset.done $0x0  }
0x2fd: {  	[sflag:s6] =	ssyncadd.s32 $0xFFFF7EE8  }
0x2fe: {  	[tilespmem:s2], [sflag:$0x1] =	stream.linear.gather [hbm4b:s1+s2], $0x8118, $0x38;
	[tilespmem:$0x18480] =	vst v63  }
0x2ff: {  	_ =	swait.ge [sflag:s11], $0x8118  }
0x300: {  	s1 =	sld [smem:$0x7F5]  }
0x301: {  	[sflag:s11] =	ssyncset.done $0x0  }
0x302: {  	[sflag:s11] =	ssyncadd.s32 $0xFFFF7EE8  }
0x303: {  	[hbm4b:s1+s2] =	stream.linear.scatter [tilespmem:s5], [sflag:$0x5], $0x8118, $0x38;
	[tilespmem:$0x18480] =	vst v63  }
0x304: {  	_ =	swait.ge [sflag:s4], $0x8118  }
0x305: {  	s1 =	sld [smem:$0x7F6]  }
0x306: {  	[sflag:s4] =	ssyncset.done $0x0  }
0x307: {  	[sflag:s4] =	ssyncadd.s32 $0xFFFF7EE8  }
0x308: {  	[tilespmem:s5], [sflag:$0x2] =	stream.linear.gather [hbm4b:s1+s2], $0x8118, $0x38;
	[tilespmem:$0x18480] =	vst v63  }
0x309: {  	_ =	swait.ge [sflag:s19], $0x8118  }
0x30a: {  	s1 =	sld [smem:$0x7F7]  }
0x30b: {  	[sflag:s19] =	ssyncset.done $0x0  }
0x30c: {  	[sflag:s19] =	ssyncadd.s32 $0xFFFF7EE8  }
0x30d: {  	[hbm4b:s1+s2] =	stream.linear.scatter [tilespmem:s12], [sflag:$0x6], $0x8118, $0x38;
	[tilespmem:$0x18480] =	vst v63  }
0x30e: {  	_ =	swait.ge [sflag:s10], $0x8118  }
0x30f: {  	s1 =	sld [smem:$0x7F8]  }
0x310: {  	[sflag:s10] =	ssyncset.done $0x0  }
0x311: {  	[sflag:s10] =	ssyncadd.s32 $0xFFFF7EE8  }
0x312: {  	[tilespmem:s12], [sflag:$0x3] =	stream.linear.gather [hbm4b:s1+s2], $0x8118, $0x38;
	[tilespmem:$0x18480] =	vst v63  }
0x313: {  	_ =	swait.ge [sflag:s14], $0x8118  }
0x314: {  	s1 =	sld [smem:$0x7F9]  }
0x315: {  	[sflag:s14] =	ssyncset.done $0x0  }
0x316: {  	[sflag:s14] =	ssyncadd.s32 $0xFFFF7EE8  }
0x317: {  	[hbm4b:s1+s2] =	stream.linear.scatter [tilespmem:s2], [sflag:$0x4], $0x8118, $0x38;
	[tilespmem:$0x18480] =	vst v63  }
0x318: {  	_ =	swait.ge [sflag:s6], $0x8118  }
0x319: {  	s1 =	sld [smem:$0x7FA]  }
0x31a: {  	[sflag:s6] =	ssyncset.done $0x0  }
0x31b: {  	[sflag:s6] =	ssyncadd.s32 $0xFFFF7EE8  }
0x31c: {  	[tilespmem:s2], [sflag:$0x1] =	stream.linear.gather [hbm4b:s1+s2], $0x8118, $0x38;
	[tilespmem:$0x18480] =	vst v63  }
0x31d: {  	_ =	swait.ge [sflag:s11], $0x8118  }
0x31e: {  	s1 =	sld [smem:$0x7FB]  }
0x31f: {  	[sflag:s11] =	ssyncset.done $0x0  }
0x320: {  	[sflag:s11] =	ssyncadd.s32 $0xFFFF7EE8  }
0x321: {  	[hbm4b:s1+s2] =	stream.linear.scatter [tilespmem:s5], [sflag:$0x5], $0x8118, $0x38;
	[tilespmem:$0x18480] =	vst v63  }
0x322: {  	_ =	swait.ge [sflag:s4], $0x8118  }
0x323: {  	s1 =	sld [smem:$0x7FC]  }
0x324: {  	[sflag:s4] =	ssyncset.done $0x0  }
0x325: {  	[sflag:s4] =	ssyncadd.s32 $0xFFFF7EE8  }
0x326: {  	[tilespmem:s5], [sflag:$0x2] =	stream.linear.gather [hbm4b:s1+s2], $0x8118, $0x38;
	[tilespmem:$0x18480] =	vst v63  }
0x327: {  	_ =	swait.ge [sflag:s19], $0x8118  }
0x328: {  	s1 =	sld [smem:$0x7FD]  }
0x329: {  	[sflag:s19] =	ssyncset.done $0x0  }
0x32a: {  	[sflag:s19] =	ssyncadd.s32 $0xFFFF7EE8  }
0x32b: {  	[hbm4b:s1+s2] =	stream.linear.scatter [tilespmem:s12], [sflag:$0x6], $0x8118, $0x38;
	[tilespmem:$0x18480] =	vst v63  }
0x32c: {  	_ =	swait.ge [sflag:s10], $0x8118  }
0x32d: {  	[sflag:s10] =	ssyncset.done $0x0  }
0x32e: {  	[sflag:s10] =	ssyncadd.s32 $0xFFFF7EE8  }
0x32f: {  	[tilespmem:s12], [sflag:$0x3] =	stream.linear.gather [hbm4b:s31+s2], $0x8118, $0x38;
	[tilespmem:$0x18480] =	vst v63  }
0x330: {  	_ =	swait.ge [sflag:s14], $0x8118  }
0x331: {  	[sflag:s14] =	ssyncset.done $0x0  }
0x332: {  	[sflag:s14] =	ssyncadd.s32 $0xFFFF7EE8  }
0x333: {  	[hbm4b:s30+s2] =	stream.linear.scatter [tilespmem:s2], [sflag:$0x4], $0x8118, $0x38;
	[tilespmem:$0x18480] =	vst v63  }
0x334: {  	_ =	swait.ge [sflag:s6], $0x8118  }
0x335: {  	[sflag:s6] =	ssyncset.done $0x0  }
0x336: {  	[sflag:s6] =	ssyncadd.s32 $0xFFFF7EE8  }
0x337: {  	[tilespmem:s2], [sflag:$0x1] =	stream.linear.gather [hbm4b:s29+s2], $0x8118, $0x38;
	[tilespmem:$0x18480] =	vst v63  }
0x338: {  	_ =	swait.ge [sflag:s11], $0x8118  }
0x339: {  	[sflag:s11] =	ssyncset.done $0x0  }
0x33a: {  	[sflag:s11] =	ssyncadd.s32 $0xFFFF7EE8  }
0x33b: {  	[hbm4b:s28+s2] =	stream.linear.scatter [tilespmem:s5], [sflag:$0x5], $0x8118, $0x38;
	[tilespmem:$0x18480] =	vst v63  }
0x33c: {  	_ =	swait.ge [sflag:s4], $0x8118  }
0x33d: {  	[sflag:s4] =	ssyncset.done $0x0  }
0x33e: {  	[sflag:s4] =	ssyncadd.s32 $0xFFFF7EE8  }
0x33f: {  	[tilespmem:s5], [sflag:$0x2] =	stream.linear.gather [hbm4b:s26+s2], $0x8118, $0x38;
	[tilespmem:$0x18480] =	vst v63  }
0x340: {  	_ =	swait.ge [sflag:s19], $0x8118  }
0x341: {  	[sflag:s19] =	ssyncset.done $0x0  }
0x342: {  	[sflag:s19] =	ssyncadd.s32 $0xFFFF7EE8  }
0x343: {  	[hbm4b:s25+s2] =	stream.linear.scatter [tilespmem:s12], [sflag:$0x6], $0x8118, $0x38;
	[tilespmem:$0x18480] =	vst v63  }
0x344: {  	_ =	swait.ge [sflag:s10], $0x8118  }
0x345: {  	[sflag:s10] =	ssyncset.done $0x0  }
0x346: {  	[sflag:s10] =	ssyncadd.s32 $0xFFFF7EE8  }
0x347: {  	[tilespmem:s12], [sflag:$0x3] =	stream.linear.gather [hbm4b:s24+s2], $0x8118, $0x38;
	[tilespmem:$0x18480] =	vst v63  }
0x348: {  	_ =	swait.ge [sflag:s14], $0x8118  }
0x349: {  	[sflag:s14] =	ssyncset.done $0x0  }
0x34a: {  	[sflag:s14] =	ssyncadd.s32 $0xFFFF7EE8  }
0x34b: {  	[hbm4b:s23+s2] =	stream.linear.scatter [tilespmem:s2], [sflag:$0x4], $0x8118, $0x38;
	[tilespmem:$0x18480] =	vst v63  }
0x34c: {  	_ =	swait.ge [sflag:s6], $0x8118  }
0x34d: {  	[sflag:s6] =	ssyncset.done $0x0  }
0x34e: {  	[sflag:s6] =	ssyncadd.s32 $0xFFFF7EE8  }
0x34f: {  	[tilespmem:s2], [sflag:$0x1] =	stream.linear.gather [hbm4b:s22+s2], $0x8118, $0x38;
	[tilespmem:$0x18480] =	vst v63  }
0x350: {  	_ =	swait.ge [sflag:s11], $0x8118  }
0x351: {  	[sflag:s11] =	ssyncset.done $0x0  }
0x352: {  	[sflag:s11] =	ssyncadd.s32 $0xFFFF7EE8  }
0x353: {  	[hbm4b:s21+s2] =	stream.linear.scatter [tilespmem:s5], [sflag:$0x5], $0x8118, $0x38;
	[tilespmem:$0x18480] =	vst v63  }
0x354: {  	_ =	swait.ge [sflag:s4], $0x8118  }
0x355: {  	[sflag:s4] =	ssyncset.done $0x0  }
0x356: {  	[sflag:s4] =	ssyncadd.s32 $0xFFFF7EE8  }
0x357: {  	[tilespmem:s5], [sflag:$0x2] =	stream.linear.gather [hbm4b:s20+s2], $0x8118, $0x38;
	[tilespmem:$0x18480] =	vst v63  }
0x358: {  	_ =	swait.ge [sflag:s19], $0x8118  }
0x359: {  	[sflag:s19] =	ssyncset.done $0x0  }
0x35a: {  	[sflag:s19] =	ssyncadd.s32 $0xFFFF7EE8  }
0x35b: {  	[hbm4b:s18+s2] =	stream.linear.scatter [tilespmem:s12], [sflag:$0x6], $0x8118, $0x38;
	[tilespmem:$0x18480] =	vst v63  }
0x35c: {  	_ =	swait.ge [sflag:s10], $0x8118  }
0x35d: {  	[sflag:s10] =	ssyncset.done $0x0  }
0x35e: {  	[sflag:s10] =	ssyncadd.s32 $0xFFFF7EE8  }
0x35f: {  	[tilespmem:s12], [sflag:$0x3] =	stream.linear.gather [hbm4b:s17+s2], $0x8118, $0x38;
	[tilespmem:$0x18480] =	vst v63  }
0x360: {  	_ =	swait.ge [sflag:s14], $0x8118  }
0x361: {  	[sflag:s14] =	ssyncset.done $0x0  }
0x362: {  	[sflag:s14] =	ssyncadd.s32 $0xFFFF7EE8  }
0x363: {  	[hbm4b:s16+s2] =	stream.linear.scatter [tilespmem:s2], [sflag:$0x4], $0x8118, $0x38;
	[tilespmem:$0x18480] =	vst v63  }
0x364: {  	_ =	swait.ge [sflag:s6], $0x8118  }
0x365: {  	[sflag:s6] =	ssyncset.done $0x0  }
0x366: {  	[sflag:s6] =	ssyncadd.s32 $0xFFFF7EE8  }
0x367: {  	[tilespmem:s2], [sflag:$0x1] =	stream.linear.gather [hbm4b:s15+s2], $0x8118, $0x38;
	[tilespmem:$0x18480] =	vst v63  }
0x368: {  	_ =	swait.ge [sflag:s11], $0x8118  }
0x369: {  	[sflag:s11] =	ssyncset.done $0x0  }
0x36a: {  	[sflag:s11] =	ssyncadd.s32 $0xFFFF7EE8  }
0x36b: {  	[hbm4b:s13+s2] =	stream.linear.scatter [tilespmem:s5], [sflag:$0x5], $0x8118, $0x38;
	[tilespmem:$0x18480] =	vst v63  }
0x36c: {  	_ =	swait.ge [sflag:s4], $0x8118  }
0x36d: {  	[sflag:s4] =	ssyncset.done $0x0  }
0x36e: {  	[sflag:s4] =	ssyncadd.s32 $0xFFFF7EE8  }
0x36f: {  	[tilespmem:s5], [sflag:$0x2] =	stream.linear.gather [hbm4b:s9+s2], $0x8118, $0x38;
	[tilespmem:$0x18480] =	vst v63  }
0x370: {  	_ =	swait.ge [sflag:s19], $0x8118  }
0x371: {  	[sflag:s19] =	ssyncset.done $0x0  }
0x372: {  	[sflag:s19] =	ssyncadd.s32 $0xFFFF7EE8  }
0x373: {  	[hbm4b:s8+s2] =	stream.linear.scatter [tilespmem:s12], [sflag:$0x6], $0x8118, $0x38;
	[tilespmem:$0x18480] =	vst v63  }
0x374: {  	_ =	swait.ge [sflag:s14], $0x8118  }
0x375: {  	[sflag:s14] =	ssyncset.done $0x0  }
0x376: {  	[sflag:s14] =	ssyncadd.s32 $0xFFFF7EE8  }
0x377: {  	[hbm4b:s7+s2] =	stream.linear.scatter [tilespmem:s2], [sflag:$0x4], $0x8118, $0x38;
	[tilespmem:$0x18480] =	vst v63  }
0x378: {  	_ =	swait.ge [sflag:s11], $0x8118  }
0x379: {  	[sflag:s11] =	ssyncset.done $0x0  }
0x37a: {  	[sflag:s11] =	ssyncadd.s32 $0xFFFF7EE8  }
0x37b: {  	[hbm4b:s3+s2] =	stream.linear.scatter [tilespmem:s5], [sflag:$0x5], $0x8118, $0x38;
	[tilespmem:$0x18480] =	vst v63  }
0x37c: {  	_ =	swait.ge [sflag:s10], $0x8118  }
0x37d: {  	[sflag:s10] =	ssyncset.done $0x0  }
0x37e: {  	[sflag:s10] =	ssyncadd.s32 $0xFFFF7EE8  }
0x37f: {  	_ =	swait.ge [sflag:s6], $0x8118  }
0x380: {  	[sflag:s6] =	ssyncset.done $0x0  }
0x381: {  	[sflag:s6] =	ssyncadd.s32 $0xFFFF7EE8  }
0x382: {  	_ =	swait.ge [sflag:s4], $0x8118  }
0x383: {  	[sflag:s4] =	ssyncset.done $0x0  }
0x384: {  	[sflag:s4] =	ssyncadd.s32 $0xFFFF7EE8  }
0x385: {  	_ =	sfence.sel $0x180000  }
0x386: {  	[bflag:$0x0] =	sbarrier.arrive $0xFFFF  }
0x387: {  	_ =	strace $0x9000004A  }
0x388: {  	s31 =	stileid.u32;
	[bflag:$0x2] =	sbarrier.arrive $0xFFFF  }
0x389: {  	p0 =	sne.s32 s31, $0x0;
	s0 =	rddreg [dreg:$0x2]  }
0x38a: {  	s0 =	sadd.s32 @!p0 $0x100000, s0  }
0x38b: {  	[sflag:s0] =	ssyncadd.tile.s32 @!p0 $0x1;
	_ =	shalt  }
.Lfunc_end2:
_tile_overlayer_lowered:
.L_overlay_start_2:
0x38c: {  	(tag) =	ssettag $0x2  }
0x38d: {  	s0 =	rddreg [dreg:$0x0];
	s2 =	stileid.u32  }
0x38e: {  	s1 =	rddreg [dreg:$0x1];
	p0 =	sne.s32 s2, $0x0  }
0x38f: {  	s3 =	rddreg [dreg:$0x2];
	[bflag:$0x3] =	sbarrier.arrive $0xFFFF;
	s2 =	simm.s32 @!p0 $0x1C07  }
0x390: {  	[timem:s3], [sflag:s2] =	dma.local @!p0 [hbm:s0], s1  }
0x391: {  	s0 =	simm.s32 @!p0 $0x7  }
0x392: {  	_ =	swait.ge @!p0 [sflag:s0], s1  }
0x393: {  	s1 =	ssub.s32 @!p0 $0x0, s1;
	[sflag:s0] =	ssyncset.done @!p0 $0x0  }
0x394: {  	[sflag:s0] =	ssyncadd.s32 @!p0 s1  }
0x395: {  	[bflag:$0x3] =	sbarrier.arrive $0xFFFF  }
0x396: {  	_ =	shalt  }

// kernel: sparse-core-data-format-call.cloned.1.call-start
scs
called_computation_lowered:
.L_overlay_start_0:
0x0: {  	s2 =	sld [smem:$0x3FD9]  }
0x1: {  	s3 =	sld [smem:$0x3FFE];
	_ =	sdelay $0x1  }
0x2: {  	s1 =	srdreg.scid  }
0x3: {  	s0 =	sand.u32 $0x1, s1  }
0x4: {  	s19 =	sshll.u32 s0, $0xA;
	s2 =	sadd.s32 s3, s2  }
0x5: {  	s2 =	sadd.s32 s2, s19  }
0x6: {  	[smem:$0x3FC7] =	sst s2  }
0x7: {  	_ = 	snop  }
0x8: {  	s2 =	sld [smem:$0x3FC9]  }
0x9: {  	s20 =	sld [smem:$0x3FD0];
	(tm) =	ssettm $0x1  }
0xa: {  	s4 =	sld [smem:$0x3FFB];
	_ =	sdelay $0x3  }
0xb: {  	_ =	strace s4  }
0xc: {  	s4 =	sld [smem:$0x3FFC];
	_ =	sdelay $0x3  }
0xd: {  	_ =	strace s4  }
0xe: {  	s4 =	sld [smem:$0x3FFD];
	_ =	sdelay $0x3  }
0xf: {  	_ =	strace s4  }
0x10: {  	_ =	strace $0x8FFFFFFF  }
0x11: {  	s21 =	sld [smem:$0x3FDB];
	_ =	sdelay $0x1  }
0x12: {  	s5 =	simm.s32 $_scs_section_size  }
0x13: {  	s6 =	simm.s32 $_size__tile_overlayer_lowered;
	s7 =	simm.s32 $_tile_overlayer_lowered  }
0x14: {  	s24 =	simm.s32 $0x1BFF;
	s23 =	sshll.u32 s7, $0x1;
	s4 =	sadd.s32 s5, s21  }
0x15: {  	s8 =	simm.s32 $0x0;
	s22 =	sshll.u32 s6, $0x1;
	s6 =	sadd.s32 s23, s4  }
0x16: {  	[timem:s8], [sflag:s24] =	dma.local [hbm:s6], s22  }
0x17: {  	_ =	swait.ge [sflag:s24], s22  }
0x18: {  	s5 =	ssub.s32 $0x0, s22;
	[sflag:s24] =	ssyncset.done $0x0  }
0x19: {  	[sflag:s24] =	ssyncadd.s32 s5;
	_ =	sdelay $0x1  }
0x1a: {  	s25 =	simm.s32 $0x1B8B  }
0x1b: {  	_ =	swait.ge [sflag:s25], $0x1  }
0x1c: {  	[sflag:s25] =	ssyncset.done $0x0  }
0x1d: {  	s26 =	simm.s32 $0x1B8E;
	[sflag:s25] =	ssyncadd.s32 $0xFFFFFFFF  }
0x1e: {  	s27 =	simm.s32 $execute0_lowered;
	[smem:$0x3FD2] =	sst s26  }
0x1f: {  	s5 =	sshll.u32 s27, $0x1;
	_ =	strace $0x80000046;
	[dreg:$0x1] =	wrdreg $0xFFFFFFFF  }
0x20: {  	s28 =	simm.s32 $_size_execute0_lowered;
	s4 =	sadd.s32 s4, s5;
	[dreg:$0x0] =	wrdreg $0x0  }
0x21: {  	s5 =	sshll.u32 s28, $0x1;
	[dreg:$0x2] =	wrdreg s4  }
0x22: {  	[dreg:$0x3] =	wrdreg s5  }
0x23: {  	[dreg:$0x4] =	wrdreg $0xC0  }
0x24: {  	_ =	task [dreg:s8], $0x5FFFF  }
0x25: {  	[dreg:$0x1] =	wrdreg $0xFFFFFFFF  }
0x26: {  	[dreg:$0x0] =	wrdreg $0x60  }
0x27: {  	[dreg:$0x2] =	wrdreg s2  }
0x28: {  	[dreg:$0x3] =	wrdreg s20  }
0x29: {  	[dreg:$0x4] =	wrdreg $0x9  }
0x2a: {  	_ =	task.clear_ibuf [dreg:s8], $0x5FFFF;
	_ =	strace $0x90000046  }
0x2b: {  	s29 =	simm.s32 $0x9;
	_ =	strace $0x80000048  }
0x2c: {  	_ =	swait.ge [sflag:s29], $0x1  }
0x2d: {  	[sflag:s29] =	ssyncadd.s32 $0xFFFFFFFF  }
0x2e: {  	_ =	strace $0x90000048  }
0x2f: {  	_ =	sfence  }
0x30: {  	s30 =	sld [smem:$0x0];
	_ =	sdelay $0x2  }
0x31: {  	s31 =	sshll.u32 s1, $0xD;
	s1 =	sshrl.u32 s1, $0x2  }
0x32: {  	s3 =	sand.u32 $0x4000, s31;
	s1 =	sadd.s32 s1, s30  }
0x33: {  	s0 =	sor.u32 s3, s0;
	s1 =	sshll.u32 s1, $0x11  }
0x34: {  	s0 =	sor.u32 s1, s0  }
0x35: {  	s0 =	sadd.s32 $0x8F2B, s0  }
0x36: {  	[sflag:s0] =	ssyncadd.remote.s32 $0x1  }
0x37: {  	_ =	sfence.sel $0xFFFF  }
0x38: {  	[dreg:$0x0] =	wrdreg $0xFFFFFFFF;
	(pc) =	sbr.abs _section_cstart, $3  }
0x39: {  	[dreg:$0x1] =	wrdreg $0xFFFFFFFF  }
0x3a: {  	_ =	task.clear_ibuf [dreg:s8], $0x2FFFF;
	_ =	strace $0x9FFFFFFF  }
0x3b: {  	(tm) =	ssettm $0x7FFFFFFF  }
tec
execute0_lowered:
.L_overlay_start_1:
0x0: {  	(tag) =	ssettag $0x1  }
0x1: {  	s2 =	rddreg [dreg:$0x0]  }
0x2: {  	s0 =	srdreg.scid;
	s3 =	rddreg [dreg:$0x1]  }
0x3: {  	s1 =	stileid.u32;
	s5 =	simm.s32 $0x1;
	s0 =	sshll.u32 s0, $0x4  }
0x4: {  	s6 =	simm.s32 $0x2;
	s8 =	simm.s32 $0x0;
	s4 =	sand.u32 $0x10, s0  }
.Ltmp0:
0x5: {  	s9 =	simm.s32 $0x0;
	s4 =	sor.u32 s1, s4;
	(pc) =	sbr.rel .LBB1_1-.Ltmp0, $4  }
0x6: {  	s0 =	rddreg [dreg:$0x2];
	_ =	strace $0x80000047;
	s4 =	sshll.u32 s4, $0x3  }
0x7: {  	s13 =	simm.s32 $0x0;
	[sflag:s5] =	ssyncpa.u1 $0x0;
	s7 =	ssub.s32 $0x4088, s4  }
0x8: {  	s10 =	simm.s32 $0x0;
	[sflag:s6] =	ssyncpa.u1 $0x0;
	s6 =	sshrl.u32 s7, $0x8  }
0x9: {  	s12 =	simm.s32 $0x0;
	s11 =	smov.u32 s4;
	s7 =	sadd.s32 $0x2, s6  }
.LBB1_9:
0xa: {  	s15 =	sshll.u32 s12, $0xE  }
0xb: {  	s16 =	sshll.u32 s10, $0x8;
	s15 =	sand.u32 $0x4000, s15  }
0xc: {  	s16 =	sadd.s32 s3, s16;
	s15 =	sor.u32 $0x8000, s15  }
0xd: {  	[hbm4b:s16+s8] =	stream.linear.scatter [tilespmem:s15], [sflag:$0x2], s14, $0x38;
	[tilespmem:$0x10000] =	vst v63  }
.LBB1_10:
0xe: {  	p0 =	slt.u32 s12, $0x2  }
0xf: {  	p1 =	sgt.s32 @!p0 s13, $0x4084  }
0x10: {  	s14 =	smov.u32 s13;
	s15 =	sshra.s32 @!p0 s13, $0x1F;
	p1 =	por !p1, p0  }
0x11: {  	s13 =	sand.u32 @!p0 s15, s13;
	s14 =	simm.s32 @p1 $0x4084  }
0x12: {  	s13 =	ssub.s32 @!p0 s14, s13  }
0x13: {  	s13 =	sadd.s32 @!p0 $0xFFFFBF7C, s13  }
0x14: {  	s14 =	sshll.u32 @!p0 s13, $0xD  }
0x15: {  	p1 =	sgt.s32 @!p0 s13, $0x7;
	s13 =	ssub.s32 @!p0 $0x10000, s14  }
0x16: {  	s15 =	sadd.s32 $0x100, s11;
	p1 =	por !p1, p0;
	s13 =	sshrl.u32 @!p0 s13, $0x2  }
0x17: {  	s13 =	simm.s32 @!p1 $0x0;
	p1 =	sgt.s32 s15, $0x408B  }
0x18: {  	s15 =	smov.u32 @p1 s4;
	p1 =	sne.s32 s12, s7  }
.Ltmp1:
0x19: {  	_ = 	snop;
	(pc) =	sbr.rel @!p1 .LBB1_11-.Ltmp1, $4  }
0x1a: {  	s14 =	simm.s32 @!p0 $0x2  }
0x1b: {  	s9 =	sadd.s32 $0x4000, s9;
	_ =	swait.ge @!p0 [sflag:s14], s13;
	s16 =	ssub.s32 @!p0 $0x0, s13  }
0x1c: {  	s13 =	smov.u32 s10;
	s12 =	sadd.s32 $0x1, s12;
	[sflag:s14] =	ssyncset.done @!p0 $0x0  }
0x1d: {  	s10 =	smov.u32 s11;
	s11 =	smov.u32 s15;
	[sflag:s14] =	ssyncadd.s32 @!p0 s16  }
.LBB1_1:
0x1e: {  	p0 =	sgt.u32 s12, s6  }
0x1f: {  	p1 =	sgt.s32 @!p0 s11, $0x4084  }
0x20: {  	s14 =	smov.u32 s11;
	s15 =	sshra.s32 @!p0 s11, $0x1F;
	p1 =	por !p1, p0  }
0x21: {  	s15 =	sand.u32 @!p0 s15, s11;
	s14 =	simm.s32 @p1 $0x4084  }
0x22: {  	s14 =	ssub.s32 @!p0 s14, s15  }
0x23: {  	s14 =	sadd.s32 @!p0 $0xFFFFBF7C, s14  }
0x24: {  	s17 =	simm.s32 @!p0 $0x0;
	s15 =	sxor.u32 @!p0 $0xFFFFFFFF, s12;
	s16 =	sshll.u32 @!p0 s14, $0xD  }
0x25: {  	s15 =	sshll.u32 @!p0 s15, $0xE;
	p1 =	sgt.s32 @!p0 s14, $0x7;
	s14 =	ssub.s32 @!p0 $0x10000, s16  }
0x26: {  	p1 =	por !p1, p0;
	s16 =	sshll.u32 @!p0 s11, $0x8;
	s14 =	sshrl.u32 @!p0 s14, $0x2  }
0x27: {  	s15 =	sand.u32 @!p0 $0x4000, s15;
	s16 =	sadd.s32 @!p0 s2, s16;
	s14 =	simm.s32 @!p1 $0x0  }
0x28: {  	[tilespmem:s15], [sflag:$0x1] =	stream.linear.gather @!p0 [hbm4b:s16+s17], s14, $0x38;
	[tilespmem:$0x10000] =	vst v63  }
0x29: {  	p0 =	seq.s32 s12, $0x0  }
0x2a: {  	p1 =	sge.u32 @!p0 s12, s7  }
0x2b: {  	p0 =	por p0, p1  }
.Ltmp2:
0x2c: {  	_ = 	snop;
	(pc) =	sbr.rel @p0 .LBB1_10-.Ltmp2, $1  }
0x2d: {  	_ =	sdelay $0x3  }
0x2e: {  	p0 =	sgt.s32 s10, $0x4084;
	s14 =	smov.u32 s10;
	s15 =	sshra.s32 s10, $0x1F  }
0x2f: {  	s14 =	simm.s32 @!p0 $0x4084;
	s15 =	sand.u32 s15, s10  }
0x30: {  	s14 =	ssub.s32 s14, s15  }
0x31: {  	s16 =	sadd.s32 $0x8, s10;
	s14 =	sadd.s32 $0xFFFFBF7C, s14  }
0x32: {  	p1 =	slt.s32 s16, $0x408C;
	s30 =	sshll.u32 s14, $0xD  }
0x33: {  	s16 =	simm.s32 @!p1 $0x408C;
	s15 =	ssub.s32 $0x10000, s30  }
0x34: {  	p0 =	sgt.s32 s14, $0x7;
	s14 =	sshrl.u32 s15, $0x2;
	s15 =	ssub.s32 s16, s10  }
0x35: {  	s14 =	simm.s32 @p0 $0x0;
	p0 =	slt.s32 s15, $0x1  }
.Ltmp3:
0x36: {  	_ = 	snop;
	(pc) =	sbr.rel @p0 .LBB1_9-.Ltmp3, $4  }
0x37: {  	_ = 	snop  }
0x38: {  	_ =	swait.ge [sflag:s5], s14  }
0x39: {  	s31 =	ssub.s32 $0x0, s14;
	[sflag:s5] =	ssyncset.done $0x0  }
0x3a: {  	[sflag:s5] =	ssyncadd.s32 s31  }
0x3b: {  	s16 =	sshll.u32 s9, $0x2  }
0x3c: {  	s16 =	sand.u32 $0x10000, s16  }
0x3d: {  	s16 =	sshrl.u32 s16, $0x2  }
0x3e: {  	s18 =	simm.s32 $0x0;
	s19 =	simm.s32 $0x0;
	s17 =	sor.u32 $0x8000, s16  }
.LBB1_4:
0x3f: {  	s20 =	sshra.s32 s18, $0x2  }
0x40: {  	v0 =	vmov s20;
	_ =	sdelay $0x3  }
0x41: {  	p1 =	por $0x1, $0x1;
	s20 =	simm.s32 $0x0  }
.LBB1_5:
0x42: {  	_ = 	snop  }
0x43: {  	s21 =	sshll.u32 s20, $0xA  }
0x44: {  	s21 =	sand.u32 $0x3FFFFC00, s21  }
0x45: {  	s21 =	sadd.s32 s21, s16  }
0x46: {  	v5 =	vld.idx.msk [tilespmem:v0+s21+$0x70 ss:$0x1], $0xffff  }
0x47: {  	v6 =	vld.idx.msk [tilespmem:v0+s21+$0x10 ss:$0x1], $0xffff  }
0x48: {  	v7 =	vld.idx.msk [tilespmem:v0+s21+$0x20 ss:$0x1], $0xffff  }
0x49: {  	s31 =	sshll.u32 s20, $0x7;
	v1 =	vld.idx.msk [tilespmem:v0+s21+$0x30 ss:$0x1], $0xffff  }
0x4a: {  	s20 =	sand.u32 $0x3FFFFF80, s31;
	v2 =	vld.idx.msk [tilespmem:v0+s21+$0x40 ss:$0x1], $0xffff  }
0x4b: {  	s20 =	sadd.s32 s20, s17;
	v3 =	vld.idx.msk [tilespmem:v0+s21+$0x50 ss:$0x1], $0xffff  }
0x4c: {  	v4 =	vld.idx.msk [tilespmem:v0+s21+$0x60 ss:$0x1], $0xffff;
	[tilespmem:v0+s20+$0x70 ss:$0x1] =	vst.idx.msk $0xffff, v5  }
0x4d: {  	v5 =	vld.idx.msk [tilespmem:v0+s21+$0x0 ss:$0x1], $0xffff;
	[tilespmem:v0+s20+$0x10 ss:$0x1] =	vst.idx.msk $0xffff, v6;
	s21 =	sadd.s32 $0x80, s21  }
0x4e: {  	p0 =	por p1, p1;
	s22 =	simm.s32 $0x6;
	[tilespmem:v0+s20+$0x20 ss:$0x1] =	vst.idx.msk $0xffff, v7;
	v6 =	vld.idx.msk [tilespmem:v0+s21+$0x70 ss:$0x1], $0xffff  }
.LBB1_6:
0x4f: {  	p1 =	sne.s32 s22, $0x1;
	v7 =	vld.idx.msk [tilespmem:v0+s21+$0x10 ss:$0x1], $0xffff;
	[tilespmem:v0+s20+$0x30 ss:$0x1] =	vst.idx.msk $0xffff, v1  }
0x50: {  	v8 =	vld.idx.msk [tilespmem:v0+s21+$0x20 ss:$0x1], $0xffff;
	[tilespmem:v0+s20+$0x40 ss:$0x1] =	vst.idx.msk $0xffff, v2  }
0x51: {  	v1 =	vld.idx.msk [tilespmem:v0+s21+$0x30 ss:$0x1], $0xffff;
	[tilespmem:v0+s20+$0x50 ss:$0x1] =	vst.idx.msk $0xffff, v3  }
.Ltmp4:
0x52: {  	v2 =	vld.idx.msk [tilespmem:v0+s21+$0x40 ss:$0x1], $0xffff;
	[tilespmem:v0+s20+$0x60 ss:$0x1] =	vst.idx.msk $0xffff, v4;
	(pc) =	sbr.rel @p1 .LBB1_6-.Ltmp4, $4  }
0x53: {  	v3 =	vld.idx.msk [tilespmem:v0+s21+$0x50 ss:$0x1], $0xffff;
	[tilespmem:v0+s20+$0x0 ss:$0x1] =	vst.idx.msk $0xffff, v5;
	s20 =	sadd.s32 $0x100, s20  }
0x54: {  	v4 =	vld.idx.msk [tilespmem:v0+s21+$0x60 ss:$0x1], $0xffff;
	[tilespmem:v0+s20+$0x70 ss:$0x1] =	vst.idx.msk $0xffff, v6  }
0x55: {  	v5 =	vld.idx.msk [tilespmem:v0+s21+$0x0 ss:$0x1], $0xffff;
	[tilespmem:v0+s20+$0x10 ss:$0x1] =	vst.idx.msk $0xffff, v7;
	s21 =	sadd.s32 $0x80, s21  }
0x56: {  	s22 =	sadd.s32 $0xFFFFFFFF, s22;
	v6 =	vld.idx.msk [tilespmem:v0+s21+$0x70 ss:$0x1], $0xffff;
	[tilespmem:v0+s20+$0x20 ss:$0x1] =	vst.idx.msk $0xffff, v8  }
0x57: {  	_ =	sdelay $0x3  }
0x58: {  	[tilespmem:v0+s20+$0x30 ss:$0x1] =	vst.idx.msk $0xffff, v1  }
0x59: {  	v1 =	vld.idx.msk [tilespmem:v0+s21+$0x10 ss:$0x1], $0xffff;
	[tilespmem:v0+s20+$0x40 ss:$0x1] =	vst.idx.msk $0xffff, v2  }
0x5a: {  	v2 =	vld.idx.msk [tilespmem:v0+s21+$0x20 ss:$0x1], $0xffff;
	[tilespmem:v0+s20+$0x50 ss:$0x1] =	vst.idx.msk $0xffff, v3  }
0x5b: {  	v61 =	vld.idx.msk [tilespmem:v0+s21+$0x40 ss:$0x1], $0xffff;
	[tilespmem:v0+s20+$0x60 ss:$0x1] =	vst.idx.msk $0xffff, v4  }
0x5c: {  	s31 =	sadd.s32 $0x100, s20;
	v62 =	vld.idx.msk [tilespmem:v0+s21+$0x50 ss:$0x1], $0xffff;
	[tilespmem:v0+s20+$0x0 ss:$0x1] =	vst.idx.msk $0xffff, v5  }
0x5d: {  	v63 =	vld.idx.msk [tilespmem:v0+s21+$0x60 ss:$0x1], $0xffff;
	[tilespmem:v0+s31+$0x70 ss:$0x1] =	vst.idx.msk $0xffff, v6  }
0x5e: {  	v3 =	vld.idx.msk [tilespmem:v0+s21+$0x30 ss:$0x1], $0xffff;
	[tilespmem:v0+s31+$0x10 ss:$0x1] =	vst.idx.msk $0xffff, v1  }
0x5f: {  	v1 =	vld.idx.msk [tilespmem:v0+s21+$0x0 ss:$0x1], $0xffff;
	[tilespmem:v0+s31+$0x20 ss:$0x1] =	vst.idx.msk $0xffff, v2  }
.Ltmp5:
0x60: {  	[tilespmem:v0+s31+$0x40 ss:$0x1] =	vst.idx.msk $0xffff, v61;
	(pc) =	sbr.rel @p0 .LBB1_5-.Ltmp5, $4  }
0x61: {  	[tilespmem:v0+s31+$0x50 ss:$0x1] =	vst.idx.msk $0xffff, v62  }
0x62: {  	[tilespmem:v0+s31+$0x60 ss:$0x1] =	vst.idx.msk $0xffff, v63  }
0x63: {  	[tilespmem:v0+s31+$0x30 ss:$0x1] =	vst.idx.msk $0xffff, v3  }
0x64: {  	p1 =	por $0x0, $0x0;
	s20 =	simm.s32 $0x1;
	[tilespmem:v0+s31+$0x0 ss:$0x1] =	vst.idx.msk $0xffff, v1  }
0x65: {  	s19 =	sadd.s32 $0x1, s19  }
0x66: {  	p0 =	sne.s32 s19, s15  }
.Ltmp6:
0x67: {  	_ = 	snop;
	(pc) =	sbr.rel @p0 .LBB1_4-.Ltmp6, $4  }
.Ltmp7:
0x68: {  	_ = 	snop;
	(pc) =	sbr.rel @!p0 .LBB1_9-.Ltmp7, $4  }
0x69: {  	_ = 	snop  }
0x6a: {  	_ = 	snop  }
0x6b: {  	s18 =	sadd.s32 $0x2000, s18  }
0x6c: {  	_ = 	snop  }
.LBB1_11:
0x6d: {  	_ =	sfence.sel $0x180000  }
0x6e: {  	s2 =	simm.s32 $0x1;
	[bflag:$0x0] =	sbarrier.arrive $0xFFFF  }
0x6f: {  	s31 =	simm.s32 $0x2;
	[sflag:s2] =	ssyncpa.u1 $0x1  }
0x70: {  	[sflag:s31] =	ssyncpa.u1 $0x1  }
0x71: {  	p0 =	sne.s32 s1, $0x0;
	_ =	strace $0x90000047  }
0x72: {  	s0 =	sadd.s32 @!p0 $0x100000, s0;
	[bflag:$0x2] =	sbarrier.arrive $0xFFFF  }
0x73: {  	[sflag:s0] =	ssyncadd.tile.s32 @!p0 $0x1;
	_ =	shalt  }
.Lfunc_end1:
_tile_overlayer_lowered:
.L_overlay_start_2:
0x74: {  	(tag) =	ssettag $0x2  }
0x75: {  	s0 =	rddreg [dreg:$0x0];
	s2 =	stileid.u32  }
0x76: {  	s1 =	rddreg [dreg:$0x1];
	p0 =	sne.s32 s2, $0x0  }
0x77: {  	s3 =	rddreg [dreg:$0x2];
	[bflag:$0x3] =	sbarrier.arrive $0xFFFF;
	s2 =	simm.s32 @!p0 $0x1C01  }
0x78: {  	[timem:s3], [sflag:s2] =	dma.local @!p0 [hbm:s0], s1  }
0x79: {  	s0 =	simm.s32 @!p0 $0x1  }
0x7a: {  	_ =	swait.ge @!p0 [sflag:s0], s1  }
0x7b: {  	s1 =	ssub.s32 @!p0 $0x0, s1;
	[sflag:s0] =	ssyncset.done @!p0 $0x0  }
0x7c: {  	[sflag:s0] =	ssyncadd.s32 @!p0 s1  }
0x7d: {  	[bflag:$0x3] =	sbarrier.arrive $0xFFFF  }
0x7e: {  	_ =	shalt  }

</sc_bundles>
